<compile_context>
chip_gen: v7x
topology: tpu7x:2x2x1
jax: 0.10.2.dev20260603
libtpu: 0.0.44.dev20260713+nightly
codegen_flags: <defaults>
</compile_context>

<pallas_src>
import jax
import jax.numpy as jnp
from jax import lax
from jax.experimental import pallas as pl
from jax.experimental.pallas import tpu as pltpu
from jax.experimental.pallas import tpu_sc as plsc

BLOCK = 16
VOCAB = 1024
D = 768

_info = plsc.get_sparse_core_info()
NC, NS, L = _info.num_cores, _info.num_subcores, _info.num_lanes
NW = NC * NS

CH = 16
RING = 8
LOOK = 4


def _sc_body(tokens_hbm, token_w_hbm, seq_hbm,
             tok_v, tokrows0, tokrows1, tokrows2, tokrows3,
             tokrows4, tokrows5, tokrows6, tokrows7,
             gt0, gt1, gt2, gt3, gt4, gt5, gt6, gt7,
             ot0, ot1, ot2, ot3, ot4, ot5, ot6, ot7):
    tokrows = (tokrows0, tokrows1, tokrows2, tokrows3,
               tokrows4, tokrows5, tokrows6, tokrows7)
    gt = (gt0, gt1, gt2, gt3, gt4, gt5, gt6, gt7)
    ot = (ot0, ot1, ot2, ot3, ot4, ot5, ot6, ot7)

    batch, lseq = tokens_hbm.shape
    blocks_total = batch * lseq // BLOCK
    blk_per_w = blocks_total // NW
    tok_per_w = blk_per_w * BLOCK
    n_ch = tok_per_w // CH
    npb = lseq // BLOCK
    spb = 2 * npb + lseq
    w_per_b = NW // batch

    wid = lax.axis_index("s") * NC + lax.axis_index("c")
    b = wid // w_per_b
    col0 = (wid - b * w_per_b) * tok_per_w

    pltpu.sync_copy(tokens_hbm.at[b, pl.ds(col0, tok_per_w)], tok_v)

    def issue(c, p):
        idx = tok_v.at[pl.ds(c * CH, CH)]
        pltpu.async_copy(token_w_hbm.at[idx], tokrows[p], gt[p])

    def wait_gather(p):
        pltpu.make_async_copy(token_w_hbm.at[pl.ds(0, CH)],
                              tokrows[p], gt[p]).wait()

    def drain_out(p):
        pltpu.make_async_copy(tokrows[p], seq_hbm.at[pl.ds(0, CH)],
                              ot[p]).wait()

    for c0 in range(LOOK):
        issue(c0, c0)

    def outer(kk, _):
        for i in range(RING):
            c = kk * RING + i
            nc = c + LOOK
            nbuf = (i + LOOK) % RING

            @pl.when(jnp.logical_and(c >= RING - LOOK, nc < n_ch))
            def _():
                drain_out(nbuf)

            @pl.when(nc < n_ch)
            def _():
                issue(nc, nbuf)

            wait_gather(i)
            row0 = b * spb + 2 * npb + col0 + c * CH
            pltpu.async_copy(tokrows[i], seq_hbm.at[pl.ds(row0, CH)], ot[i])
        return 0

    lax.fori_loop(0, n_ch // RING, outer, 0)
    for i in range(RING):
        drain_out(i)


def _tc_body(tokens_ref, cat_w_ref, num_w_ref,
             hist_ref, catnum_ref, cat_ids_ref):
    m = tokens_ref.shape[0]
    npb = 256
    batch = m // npb
    iota_v = lax.broadcasted_iota(jnp.int32, (m, VOCAB), 1)

    col0 = tokens_ref[:, 0:1]
    cat_ids_ref[...] = col0.reshape(batch, npb)

    h = jnp.zeros((m, VOCAB), jnp.float32)
    for r in range(BLOCK):
        col = tokens_ref[:, r:r + 1]
        h = h + (col == iota_v).astype(jnp.float32)
    hist_ref[...] = h

    onehot = (col0 == iota_v).astype(jnp.float32)
    cat = jnp.dot(onehot, cat_w_ref[...], preferred_element_type=jnp.float32)
    num = jnp.dot(h, num_w_ref[...], preferred_element_type=jnp.float32)
    for b in range(batch):
        catnum_ref[b * 2 * npb:b * 2 * npb + npb, :] = (
            cat[b * npb:(b + 1) * npb, :])
        catnum_ref[b * 2 * npb + npb:(b + 1) * 2 * npb, :] = (
            num[b * npb:(b + 1) * npb, :])


def kernel(tokens, cat_W, num_W, token_W):
    B, Lseq = tokens.shape
    n_blocks = Lseq // BLOCK
    seq_rows = 2 * n_blocks + Lseq

    mesh = plsc.VectorSubcoreMesh(core_axis_name="c", subcore_axis_name="s")
    sc = pl.kernel(
        _sc_body,
        out_type=jax.ShapeDtypeStruct((B * seq_rows, D), jnp.float32),
        mesh=mesh,
        compiler_params=pltpu.CompilerParams(needs_layout_passes=False),
        scratch_types=[
            pltpu.VMEM((Lseq * B // NW,), jnp.int32),
        ] + [pltpu.VMEM((CH, D), jnp.float32)] * RING
          + [pltpu.SemaphoreType.DMA] * (2 * RING),
    )

    tc = pl.pallas_call(
        _tc_body,
        out_shape=[
            jax.ShapeDtypeStruct((B * n_blocks, VOCAB), jnp.float32),
            jax.ShapeDtypeStruct((B * 2 * n_blocks, D), jnp.float32),
            jax.ShapeDtypeStruct((B, n_blocks), jnp.int32),
        ],
    )

    seq_flat = sc(tokens, token_W)
    hist_flat, catnum, cat_ids = tc(
        tokens.reshape(B * n_blocks, BLOCK), cat_W, num_W)

    new_seq = seq_flat.reshape(B, seq_rows, D)
    new_seq = lax.dynamic_update_slice(
        new_seq, catnum.reshape(B, 2 * n_blocks, D), (0, 0, 0))
    hist = hist_flat.reshape(B, n_blocks, VOCAB)
    return (new_seq, cat_ids, hist)

# --- scband reference (transcript-rebuilt; emitter-appended) ---
"""Pipeline reference for scband-chunk-aggregator-85590108275021 (READ-ONLY COPY).

The authoritative reference and input builder live on the scoring server;
editing this copy changes nothing except your own understanding.
"""

import jax, jax.numpy as jnp
import numpy as np

BLOCK = 16
BOS_ID = 0
VOCAB = 1024
D = 768


def setup_inputs(seed: int = 0) -> dict:
    key = jax.random.key(seed)
    k1, k2, k3, k4 = jax.random.split(key, 4)
    tokens = jax.random.randint(k1, (4, 4096), 0, VOCAB, dtype=jnp.int32)
    cat_W = jax.random.normal(k2, (VOCAB, D), dtype=jnp.float32) * 0.02
    num_W = jax.random.normal(k3, (VOCAB, D), dtype=jnp.float32) * 0.02
    token_W = jax.random.normal(k4, (VOCAB, D), dtype=jnp.float32) * 0.02
    return {"tokens": tokens, "cat_W": cat_W, "num_W": num_W, "token_W": token_W}


def reference(tokens, cat_W, num_W, token_W):
    B, L = tokens.shape
    pad_len = (-L) % BLOCK
    if pad_len > 0:
        tokens = jnp.pad(tokens, ((0, 0), (0, pad_len)), constant_values=BOS_ID)
        L = L + pad_len
    n_blocks = L // BLOCK
    blocks = tokens.reshape(B, n_blocks, BLOCK)
    # categorical id = first token of each block -> embedding gather
    cat_ids = blocks[:, :, 0]
    cat_emb = jnp.take(cat_W, cat_ids, axis=0)
    # per-block histogram over the vocab via one-hot sum (faithful to torch code)
    vocab = num_W.shape[0]
    one_hot = jax.nn.one_hot(blocks, vocab, dtype=jnp.float32)
    hist = one_hot.sum(axis=2)  # [B, n_blocks, vocab]
    # num_embed_f applied to dense histogram = linear projection by its table
    num_emb = hist @ num_W  # [B, n_blocks, D]
    # per-token embedding gather
    token_embs = jnp.take(token_W, tokens, axis=0)
    new_seq = jnp.concatenate([cat_emb, num_emb, token_embs], axis=1)
    return (new_seq, cat_ids, hist)

if __name__ == "__main__":
    import jax
    _d = setup_inputs()
    print(jax.jit(kernel)(*tuple(_d.values())))

</pallas_src>

<mosaic_0001>
#map = affine_map<(d0, d1) -> (0, 0)>
module attributes {stable_mosaic.version = 14 : i64} {
  func.func @_sc_body(%arg0: i32, %arg1: i32, %arg2: memref<4x4096xi32, #tpu.memory_space<hbm>>, %arg3: memref<1024x768xf32, #tpu.memory_space<hbm>>, %arg4: memref<18432x768xf32, #tpu.memory_space<hbm>>, %arg5: memref<512xi32, #tpu.memory_space<vmem>>, %arg6: memref<16x768xf32, #tpu.memory_space<vmem>>, %arg7: memref<16x768xf32, #tpu.memory_space<vmem>>, %arg8: memref<16x768xf32, #tpu.memory_space<vmem>>, %arg9: memref<16x768xf32, #tpu.memory_space<vmem>>, %arg10: memref<16x768xf32, #tpu.memory_space<vmem>>, %arg11: memref<16x768xf32, #tpu.memory_space<vmem>>, %arg12: memref<16x768xf32, #tpu.memory_space<vmem>>, %arg13: memref<16x768xf32, #tpu.memory_space<vmem>>, %arg14: memref<!tpu.dma_semaphore, #tpu.memory_space<semaphore_mem>>, %arg15: memref<!tpu.dma_semaphore, #tpu.memory_space<semaphore_mem>>, %arg16: memref<!tpu.dma_semaphore, #tpu.memory_space<semaphore_mem>>, %arg17: memref<!tpu.dma_semaphore, #tpu.memory_space<semaphore_mem>>, %arg18: memref<!tpu.dma_semaphore, #tpu.memory_space<semaphore_mem>>, %arg19: memref<!tpu.dma_semaphore, #tpu.memory_space<semaphore_mem>>, %arg20: memref<!tpu.dma_semaphore, #tpu.memory_space<semaphore_mem>>, %arg21: memref<!tpu.dma_semaphore, #tpu.memory_space<semaphore_mem>>, %arg22: memref<!tpu.dma_semaphore, #tpu.memory_space<semaphore_mem>>, %arg23: memref<!tpu.dma_semaphore, #tpu.memory_space<semaphore_mem>>, %arg24: memref<!tpu.dma_semaphore, #tpu.memory_space<semaphore_mem>>, %arg25: memref<!tpu.dma_semaphore, #tpu.memory_space<semaphore_mem>>, %arg26: memref<!tpu.dma_semaphore, #tpu.memory_space<semaphore_mem>>, %arg27: memref<!tpu.dma_semaphore, #tpu.memory_space<semaphore_mem>>, %arg28: memref<!tpu.dma_semaphore, #tpu.memory_space<semaphore_mem>>, %arg29: memref<!tpu.dma_semaphore, #tpu.memory_space<semaphore_mem>>) attributes {dimension_semantics = [#tpu.dimension_semantics<core_parallel>, #tpu.dimension_semantics<subcore_parallel>], iteration_bounds = array<i64: 2, 16>, scalar_prefetch = 0 : i64, scratch_operands = 25 : i64, tpu.core_type = #tpu.core_type<sc_vector_subcore>, window_params = [{transform_indices = #map}, {transform_indices = #map}, {transform_indices = #map}]} {
    %mul3A = arith.constant 2 : i32
    %mul3A_0 = arith.muli %arg1, %mul3A : i32
    %add3A = arith.addi %mul3A_0, %arg0 : i32
    %jit3A = arith.constant 8 : i32
    %div3A = arith.divsi %add3A, %jit3A : i32
    %sign3A = arith.constant 0 : i32
    %sign3A_1 = arith.cmpi sgt, %add3A, %sign3A : i32
    %sign3A_2 = arith.extui %sign3A_1 : i1 to i32
    %sign3A_3 = arith.constant 0 : i32
    %sign3A_4 = arith.cmpi slt, %add3A, %sign3A_3 : i32
    %sign3A_5 = arith.extui %sign3A_4 : i1 to i32
    %sign3A_6 = arith.subi %sign3A_2, %sign3A_5 : i32
    %sign3A_7 = arith.constant 0 : i32
    %sign3A_8 = arith.cmpi sgt, %jit3A, %sign3A_7 : i32
    %sign3A_9 = arith.extui %sign3A_8 : i1 to i32
    %sign3A_10 = arith.constant 0 : i32
    %sign3A_11 = arith.cmpi slt, %jit3A, %sign3A_10 : i32
    %sign3A_12 = arith.extui %sign3A_11 : i1 to i32
    %sign3A_13 = arith.subi %sign3A_9, %sign3A_12 : i32
    %ne3A = arith.cmpi ne, %sign3A_6, %sign3A_13 : i32
    %rem3A = arith.remsi %add3A, %jit3A : i32
    %ne3A_14 = arith.constant 0 : i32
    %ne3A_15 = arith.cmpi ne, %rem3A, %ne3A_14 : i32
    %and3A = arith.andi %ne3A, %ne3A_15 : i1
    %sub3A = arith.constant 1 : i32
    %sub3A_16 = arith.subi %div3A, %sub3A : i32
    %select_n3A = arith.select %and3A, %sub3A_16, %div3A : i32
    %mul3A_17 = arith.constant 8 : i32
    %mul3A_18 = arith.muli %select_n3A, %mul3A_17 : i32
    %sub3A_19 = arith.subi %add3A, %mul3A_18 : i32
    %mul3A_20 = arith.constant 512 : i32
    %mul3A_21 = arith.muli %sub3A_19, %mul3A_20 : i32
    "tpu.region"() ({
      %run_scoped3A = tpu.sem_alloc : memref<!tpu.dma_semaphore, #tpu.memory_space<semaphore_mem>>
      %dma_start3A_94 = tpu.memref_slice %arg2[%select_n3A, %mul3A_21] : memref<4x4096xi32, #tpu.memory_space<hbm>> -> memref<1x512xi32, #tpu.memory_space<hbm>>
      %dma_start3A_95 = tpu.memref_squeeze %dma_start3A_94 : memref<1x512xi32, #tpu.memory_space<hbm>> -> memref<512xi32, #tpu.memory_space<hbm>>
      %dma_start3A_96 = tpu.memref_slice %arg2[%select_n3A, %mul3A_21] : memref<4x4096xi32, #tpu.memory_space<hbm>> -> memref<1x512xi32, #tpu.memory_space<hbm>>
      %dma_start3A_97 = tpu.memref_squeeze %dma_start3A_96 : memref<1x512xi32, #tpu.memory_space<hbm>> -> memref<512xi32, #tpu.memory_space<hbm>>
      tpu.enqueue_dma source(%dma_start3A_97 : memref<512xi32, #tpu.memory_space<hbm>>) target(%arg5 : memref<512xi32, #tpu.memory_space<vmem>>) target_semaphore(%run_scoped3A : memref<!tpu.dma_semaphore, #tpu.memory_space<semaphore_mem>>)
      %dma_wait3A_98 = tpu.memref_slice %arg2[%select_n3A, %mul3A_21] : memref<4x4096xi32, #tpu.memory_space<hbm>> -> memref<1x512xi32, #tpu.memory_space<hbm>>
      %dma_wait3A_99 = tpu.memref_squeeze %dma_wait3A_98 : memref<1x512xi32, #tpu.memory_space<hbm>> -> memref<512xi32, #tpu.memory_space<hbm>>
      %dma_wait3A_100 = tpu.memref_slice %arg2[%select_n3A, %mul3A_21] : memref<4x4096xi32, #tpu.memory_space<hbm>> -> memref<1x512xi32, #tpu.memory_space<hbm>>
      %dma_wait3A_101 = tpu.memref_squeeze %dma_wait3A_100 : memref<1x512xi32, #tpu.memory_space<hbm>> -> memref<512xi32, #tpu.memory_space<hbm>>
      tpu.wait_dma2 semaphore(%run_scoped3A : memref<!tpu.dma_semaphore, #tpu.memory_space<semaphore_mem>>) src(%dma_wait3A_101 : memref<512xi32, #tpu.memory_space<hbm>>) dst(%arg5 : memref<512xi32, #tpu.memory_space<vmem>>)
      tpu.yield
    }) : () -> ()
    %dma_start3A = arith.constant 0 : i32
    %dma_start3A_22 = tpu.memref_slice %arg5[%dma_start3A] : memref<512xi32, #tpu.memory_space<vmem>> -> memref<16xi32, #tpu.memory_space<vmem>>
    %dma_start3A_23 = arith.constant 0 : i32
    %dma_start3A_24 = arith.constant 0 : i32
    %dma_start3A_25 = tpu.memref_slice %arg3[%dma_start3A_23, %dma_start3A_24] : memref<1024x768xf32, #tpu.memory_space<hbm>> -> memref<1024x768xf32, #tpu.memory_space<hbm>>
    tpu.enqueue_indirect_dma source(%dma_start3A_25 : memref<1024x768xf32, #tpu.memory_space<hbm>>) target(%arg6 : memref<16x768xf32, #tpu.memory_space<vmem>>) offsets(%dma_start3A_22 : memref<16xi32, #tpu.memory_space<vmem>>) semaphore(%arg14 : memref<!tpu.dma_semaphore, #tpu.memory_space<semaphore_mem>>)
    %dma_start3A_26 = arith.constant 16 : i32
    %dma_start3A_27 = tpu.memref_slice %arg5[%dma_start3A_26] : memref<512xi32, #tpu.memory_space<vmem>> -> memref<16xi32, #tpu.memory_space<vmem>>
    %dma_start3A_28 = arith.constant 0 : i32
    %dma_start3A_29 = arith.constant 0 : i32
    %dma_start3A_30 = tpu.memref_slice %arg3[%dma_start3A_28, %dma_start3A_29] : memref<1024x768xf32, #tpu.memory_space<hbm>> -> memref<1024x768xf32, #tpu.memory_space<hbm>>
    tpu.enqueue_indirect_dma source(%dma_start3A_30 : memref<1024x768xf32, #tpu.memory_space<hbm>>) target(%arg7 : memref<16x768xf32, #tpu.memory_space<vmem>>) offsets(%dma_start3A_27 : memref<16xi32, #tpu.memory_space<vmem>>) semaphore(%arg15 : memref<!tpu.dma_semaphore, #tpu.memory_space<semaphore_mem>>)
    %dma_start3A_31 = arith.constant 32 : i32
    %dma_start3A_32 = tpu.memref_slice %arg5[%dma_start3A_31] : memref<512xi32, #tpu.memory_space<vmem>> -> memref<16xi32, #tpu.memory_space<vmem>>
    %dma_start3A_33 = arith.constant 0 : i32
    %dma_start3A_34 = arith.constant 0 : i32
    %dma_start3A_35 = tpu.memref_slice %arg3[%dma_start3A_33, %dma_start3A_34] : memref<1024x768xf32, #tpu.memory_space<hbm>> -> memref<1024x768xf32, #tpu.memory_space<hbm>>
    tpu.enqueue_indirect_dma source(%dma_start3A_35 : memref<1024x768xf32, #tpu.memory_space<hbm>>) target(%arg8 : memref<16x768xf32, #tpu.memory_space<vmem>>) offsets(%dma_start3A_32 : memref<16xi32, #tpu.memory_space<vmem>>) semaphore(%arg16 : memref<!tpu.dma_semaphore, #tpu.memory_space<semaphore_mem>>)
    %dma_start3A_36 = arith.constant 48 : i32
    %dma_start3A_37 = tpu.memref_slice %arg5[%dma_start3A_36] : memref<512xi32, #tpu.memory_space<vmem>> -> memref<16xi32, #tpu.memory_space<vmem>>
    %dma_start3A_38 = arith.constant 0 : i32
    %dma_start3A_39 = arith.constant 0 : i32
    %dma_start3A_40 = tpu.memref_slice %arg3[%dma_start3A_38, %dma_start3A_39] : memref<1024x768xf32, #tpu.memory_space<hbm>> -> memref<1024x768xf32, #tpu.memory_space<hbm>>
    tpu.enqueue_indirect_dma source(%dma_start3A_40 : memref<1024x768xf32, #tpu.memory_space<hbm>>) target(%arg9 : memref<16x768xf32, #tpu.memory_space<vmem>>) offsets(%dma_start3A_37 : memref<16xi32, #tpu.memory_space<vmem>>) semaphore(%arg17 : memref<!tpu.dma_semaphore, #tpu.memory_space<semaphore_mem>>)
    %scan3A = arith.constant 0 : i32
    %scan3A_41 = arith.constant 0 : i32
    %scan3A_42 = arith.constant 4 : i32
    %scan3A_43 = arith.addi %scan3A_41, %scan3A_42 : i32
    %scan3A_44 = arith.constant 1 : i32
    %scan3A_45 = scf.for %scan3A_94 = %scan3A_41 to %scan3A_43 step %scan3A_44 iter_args(%scan3A_95 = %scan3A) -> (i32)  : i32 {
      %mul3A_96 = arith.constant 8 : i32
      %mul3A_97 = arith.muli %scan3A_94, %mul3A_96 : i32
      %add3A_98 = arith.constant 0 : i32
      %add3A_99 = arith.addi %mul3A_97, %add3A_98 : i32
      %add3A_100 = arith.constant 4 : i32
      %add3A_101 = arith.addi %add3A_99, %add3A_100 : i32
      %ge3A = arith.constant 4 : i32
      %ge3A_102 = arith.cmpi sge, %add3A_99, %ge3A : i32
      %lt3A = arith.constant 32 : i32
      %lt3A_103 = arith.cmpi slt, %add3A_101, %lt3A : i32
      %and3A_104 = arith.andi %ge3A_102, %lt3A_103 : i1
      %convert_element_type3A = arith.extui %and3A_104 : i1 to i32
      %cond3A = arith.constant 0 : i32
      %cond3A_105 = arith.cmpi ne, %convert_element_type3A, %cond3A : i32
      scf.if %cond3A_105 {
        %dma_wait3A_389 = arith.constant 0 : i32
        %dma_wait3A_390 = arith.constant 0 : i32
        %dma_wait3A_391 = tpu.memref_slice %arg4[%dma_wait3A_389, %dma_wait3A_390] : memref<18432x768xf32, #tpu.memory_space<hbm>> -> memref<16x768xf32, #tpu.memory_space<hbm>>
        %dma_wait3A_392 = arith.constant 0 : i32
        %dma_wait3A_393 = arith.constant 0 : i32
        %dma_wait3A_394 = tpu.memref_slice %arg4[%dma_wait3A_392, %dma_wait3A_393] : memref<18432x768xf32, #tpu.memory_space<hbm>> -> memref<16x768xf32, #tpu.memory_space<hbm>>
        tpu.wait_dma2 semaphore(%arg26 : memref<!tpu.dma_semaphore, #tpu.memory_space<semaphore_mem>>) src(%arg10 : memref<16x768xf32, #tpu.memory_space<vmem>>) dst(%dma_wait3A_394 : memref<16x768xf32, #tpu.memory_space<hbm>>)
      } else {
      }
      %lt3A_106 = arith.constant 32 : i32
      %lt3A_107 = arith.cmpi slt, %add3A_101, %lt3A_106 : i32
      %convert_element_type3A_108 = arith.extui %lt3A_107 : i1 to i32
      %cond3A_109 = arith.constant 0 : i32
      %cond3A_110 = arith.cmpi ne, %convert_element_type3A_108, %cond3A_109 : i32
      scf.if %cond3A_110 {
        %mul3A_389 = arith.constant 16 : i32
        %mul3A_390 = arith.muli %add3A_101, %mul3A_389 : i32
        %dma_start3A_391 = tpu.memref_slice %arg5[%mul3A_390] : memref<512xi32, #tpu.memory_space<vmem>> -> memref<16xi32, #tpu.memory_space<vmem>>
        %dma_start3A_392 = arith.constant 0 : i32
        %dma_start3A_393 = arith.constant 0 : i32
        %dma_start3A_394 = tpu.memref_slice %arg3[%dma_start3A_392, %dma_start3A_393] : memref<1024x768xf32, #tpu.memory_space<hbm>> -> memref<1024x768xf32, #tpu.memory_space<hbm>>
        tpu.enqueue_indirect_dma source(%dma_start3A_394 : memref<1024x768xf32, #tpu.memory_space<hbm>>) target(%arg10 : memref<16x768xf32, #tpu.memory_space<vmem>>) offsets(%dma_start3A_391 : memref<16xi32, #tpu.memory_space<vmem>>) semaphore(%arg18 : memref<!tpu.dma_semaphore, #tpu.memory_space<semaphore_mem>>)
      } else {
      }
      %dma_wait3A_111 = arith.constant 0 : i32
      %dma_wait3A_112 = arith.constant 0 : i32
      %dma_wait3A_113 = tpu.memref_slice %arg3[%dma_wait3A_111, %dma_wait3A_112] : memref<1024x768xf32, #tpu.memory_space<hbm>> -> memref<16x768xf32, #tpu.memory_space<hbm>>
      %dma_wait3A_114 = arith.constant 0 : i32
      %dma_wait3A_115 = arith.constant 0 : i32
      %dma_wait3A_116 = tpu.memref_slice %arg3[%dma_wait3A_114, %dma_wait3A_115] : memref<1024x768xf32, #tpu.memory_space<hbm>> -> memref<16x768xf32, #tpu.memory_space<hbm>>
      tpu.wait_dma2 semaphore(%arg14 : memref<!tpu.dma_semaphore, #tpu.memory_space<semaphore_mem>>) src(%dma_wait3A_116 : memref<16x768xf32, #tpu.memory_space<hbm>>) dst(%arg6 : memref<16x768xf32, #tpu.memory_space<vmem>>)
      %mul3A_117 = arith.constant 4608 : i32
      %mul3A_118 = arith.muli %select_n3A, %mul3A_117 : i32
      %add3A_119 = arith.constant 512 : i32
      %add3A_120 = arith.addi %mul3A_118, %add3A_119 : i32
      %add3A_121 = arith.addi %add3A_120, %mul3A_21 : i32
      %mul3A_122 = arith.constant 16 : i32
      %mul3A_123 = arith.muli %add3A_99, %mul3A_122 : i32
      %add3A_124 = arith.addi %add3A_121, %mul3A_123 : i32
      %dma_start3A_125 = arith.constant 0 : i32
      %dma_start3A_126 = tpu.memref_slice %arg4[%add3A_124, %dma_start3A_125] : memref<18432x768xf32, #tpu.memory_space<hbm>> -> memref<16x768xf32, #tpu.memory_space<hbm>>
      %dma_start3A_127 = arith.constant 0 : i32
      %dma_start3A_128 = tpu.memref_slice %arg4[%add3A_124, %dma_start3A_127] : memref<18432x768xf32, #tpu.memory_space<hbm>> -> memref<16x768xf32, #tpu.memory_space<hbm>>
      tpu.enqueue_dma source(%arg6 : memref<16x768xf32, #tpu.memory_space<vmem>>) target(%dma_start3A_128 : memref<16x768xf32, #tpu.memory_space<hbm>>) target_semaphore(%arg22 : memref<!tpu.dma_semaphore, #tpu.memory_space<semaphore_mem>>)
      %mul3A_129 = arith.constant 8 : i32
      %mul3A_130 = arith.muli %scan3A_94, %mul3A_129 : i32
      %add3A_131 = arith.constant 1 : i32
      %add3A_132 = arith.addi %mul3A_130, %add3A_131 : i32
      %add3A_133 = arith.constant 4 : i32
      %add3A_134 = arith.addi %add3A_132, %add3A_133 : i32
      %ge3A_135 = arith.constant 4 : i32
      %ge3A_136 = arith.cmpi sge, %add3A_132, %ge3A_135 : i32
      %lt3A_137 = arith.constant 32 : i32
      %lt3A_138 = arith.cmpi slt, %add3A_134, %lt3A_137 : i32
      %and3A_139 = arith.andi %ge3A_136, %lt3A_138 : i1
      %convert_element_type3A_140 = arith.extui %and3A_139 : i1 to i32
      %cond3A_141 = arith.constant 0 : i32
      %cond3A_142 = arith.cmpi ne, %convert_element_type3A_140, %cond3A_141 : i32
      scf.if %cond3A_142 {
        %dma_wait3A_389 = arith.constant 0 : i32
        %dma_wait3A_390 = arith.constant 0 : i32
        %dma_wait3A_391 = tpu.memref_slice %arg4[%dma_wait3A_389, %dma_wait3A_390] : memref<18432x768xf32, #tpu.memory_space<hbm>> -> memref<16x768xf32, #tpu.memory_space<hbm>>
        %dma_wait3A_392 = arith.constant 0 : i32
        %dma_wait3A_393 = arith.constant 0 : i32
        %dma_wait3A_394 = tpu.memref_slice %arg4[%dma_wait3A_392, %dma_wait3A_393] : memref<18432x768xf32, #tpu.memory_space<hbm>> -> memref<16x768xf32, #tpu.memory_space<hbm>>
        tpu.wait_dma2 semaphore(%arg27 : memref<!tpu.dma_semaphore, #tpu.memory_space<semaphore_mem>>) src(%arg11 : memref<16x768xf32, #tpu.memory_space<vmem>>) dst(%dma_wait3A_394 : memref<16x768xf32, #tpu.memory_space<hbm>>)
      } else {
      }
      %lt3A_143 = arith.constant 32 : i32
      %lt3A_144 = arith.cmpi slt, %add3A_134, %lt3A_143 : i32
      %convert_element_type3A_145 = arith.extui %lt3A_144 : i1 to i32
      %cond3A_146 = arith.constant 0 : i32
      %cond3A_147 = arith.cmpi ne, %convert_element_type3A_145, %cond3A_146 : i32
      scf.if %cond3A_147 {
        %mul3A_389 = arith.constant 16 : i32
        %mul3A_390 = arith.muli %add3A_134, %mul3A_389 : i32
        %dma_start3A_391 = tpu.memref_slice %arg5[%mul3A_390] : memref<512xi32, #tpu.memory_space<vmem>> -> memref<16xi32, #tpu.memory_space<vmem>>
        %dma_start3A_392 = arith.constant 0 : i32
        %dma_start3A_393 = arith.constant 0 : i32
        %dma_start3A_394 = tpu.memref_slice %arg3[%dma_start3A_392, %dma_start3A_393] : memref<1024x768xf32, #tpu.memory_space<hbm>> -> memref<1024x768xf32, #tpu.memory_space<hbm>>
        tpu.enqueue_indirect_dma source(%dma_start3A_394 : memref<1024x768xf32, #tpu.memory_space<hbm>>) target(%arg11 : memref<16x768xf32, #tpu.memory_space<vmem>>) offsets(%dma_start3A_391 : memref<16xi32, #tpu.memory_space<vmem>>) semaphore(%arg19 : memref<!tpu.dma_semaphore, #tpu.memory_space<semaphore_mem>>)
      } else {
      }
      %dma_wait3A_148 = arith.constant 0 : i32
      %dma_wait3A_149 = arith.constant 0 : i32
      %dma_wait3A_150 = tpu.memref_slice %arg3[%dma_wait3A_148, %dma_wait3A_149] : memref<1024x768xf32, #tpu.memory_space<hbm>> -> memref<16x768xf32, #tpu.memory_space<hbm>>
      %dma_wait3A_151 = arith.constant 0 : i32
      %dma_wait3A_152 = arith.constant 0 : i32
      %dma_wait3A_153 = tpu.memref_slice %arg3[%dma_wait3A_151, %dma_wait3A_152] : memref<1024x768xf32, #tpu.memory_space<hbm>> -> memref<16x768xf32, #tpu.memory_space<hbm>>
      tpu.wait_dma2 semaphore(%arg15 : memref<!tpu.dma_semaphore, #tpu.memory_space<semaphore_mem>>) src(%dma_wait3A_153 : memref<16x768xf32, #tpu.memory_space<hbm>>) dst(%arg7 : memref<16x768xf32, #tpu.memory_space<vmem>>)
      %mul3A_154 = arith.constant 4608 : i32
      %mul3A_155 = arith.muli %select_n3A, %mul3A_154 : i32
      %add3A_156 = arith.constant 512 : i32
      %add3A_157 = arith.addi %mul3A_155, %add3A_156 : i32
      %add3A_158 = arith.addi %add3A_157, %mul3A_21 : i32
      %mul3A_159 = arith.constant 16 : i32
      %mul3A_160 = arith.muli %add3A_132, %mul3A_159 : i32
      %add3A_161 = arith.addi %add3A_158, %mul3A_160 : i32
      %dma_start3A_162 = arith.constant 0 : i32
      %dma_start3A_163 = tpu.memref_slice %arg4[%add3A_161, %dma_start3A_162] : memref<18432x768xf32, #tpu.memory_space<hbm>> -> memref<16x768xf32, #tpu.memory_space<hbm>>
      %dma_start3A_164 = arith.constant 0 : i32
      %dma_start3A_165 = tpu.memref_slice %arg4[%add3A_161, %dma_start3A_164] : memref<18432x768xf32, #tpu.memory_space<hbm>> -> memref<16x768xf32, #tpu.memory_space<hbm>>
      tpu.enqueue_dma source(%arg7 : memref<16x768xf32, #tpu.memory_space<vmem>>) target(%dma_start3A_165 : memref<16x768xf32, #tpu.memory_space<hbm>>) target_semaphore(%arg23 : memref<!tpu.dma_semaphore, #tpu.memory_space<semaphore_mem>>)
      %mul3A_166 = arith.constant 8 : i32
      %mul3A_167 = arith.muli %scan3A_94, %mul3A_166 : i32
      %add3A_168 = arith.constant 2 : i32
      %add3A_169 = arith.addi %mul3A_167, %add3A_168 : i32
      %add3A_170 = arith.constant 4 : i32
      %add3A_171 = arith.addi %add3A_169, %add3A_170 : i32
      %ge3A_172 = arith.constant 4 : i32
      %ge3A_173 = arith.cmpi sge, %add3A_169, %ge3A_172 : i32
      %lt3A_174 = arith.constant 32 : i32
      %lt3A_175 = arith.cmpi slt, %add3A_171, %lt3A_174 : i32
      %and3A_176 = arith.andi %ge3A_173, %lt3A_175 : i1
      %convert_element_type3A_177 = arith.extui %and3A_176 : i1 to i32
      %cond3A_178 = arith.constant 0 : i32
      %cond3A_179 = arith.cmpi ne, %convert_element_type3A_177, %cond3A_178 : i32
      scf.if %cond3A_179 {
        %dma_wait3A_389 = arith.constant 0 : i32
        %dma_wait3A_390 = arith.constant 0 : i32
        %dma_wait3A_391 = tpu.memref_slice %arg4[%dma_wait3A_389, %dma_wait3A_390] : memref<18432x768xf32, #tpu.memory_space<hbm>> -> memref<16x768xf32, #tpu.memory_space<hbm>>
        %dma_wait3A_392 = arith.constant 0 : i32
        %dma_wait3A_393 = arith.constant 0 : i32
        %dma_wait3A_394 = tpu.memref_slice %arg4[%dma_wait3A_392, %dma_wait3A_393] : memref<18432x768xf32, #tpu.memory_space<hbm>> -> memref<16x768xf32, #tpu.memory_space<hbm>>
        tpu.wait_dma2 semaphore(%arg28 : memref<!tpu.dma_semaphore, #tpu.memory_space<semaphore_mem>>) src(%arg12 : memref<16x768xf32, #tpu.memory_space<vmem>>) dst(%dma_wait3A_394 : memref<16x768xf32, #tpu.memory_space<hbm>>)
      } else {
      }
      %lt3A_180 = arith.constant 32 : i32
      %lt3A_181 = arith.cmpi slt, %add3A_171, %lt3A_180 : i32
      %convert_element_type3A_182 = arith.extui %lt3A_181 : i1 to i32
      %cond3A_183 = arith.constant 0 : i32
      %cond3A_184 = arith.cmpi ne, %convert_element_type3A_182, %cond3A_183 : i32
      scf.if %cond3A_184 {
        %mul3A_389 = arith.constant 16 : i32
        %mul3A_390 = arith.muli %add3A_171, %mul3A_389 : i32
        %dma_start3A_391 = tpu.memref_slice %arg5[%mul3A_390] : memref<512xi32, #tpu.memory_space<vmem>> -> memref<16xi32, #tpu.memory_space<vmem>>
        %dma_start3A_392 = arith.constant 0 : i32
        %dma_start3A_393 = arith.constant 0 : i32
        %dma_start3A_394 = tpu.memref_slice %arg3[%dma_start3A_392, %dma_start3A_393] : memref<1024x768xf32, #tpu.memory_space<hbm>> -> memref<1024x768xf32, #tpu.memory_space<hbm>>
        tpu.enqueue_indirect_dma source(%dma_start3A_394 : memref<1024x768xf32, #tpu.memory_space<hbm>>) target(%arg12 : memref<16x768xf32, #tpu.memory_space<vmem>>) offsets(%dma_start3A_391 : memref<16xi32, #tpu.memory_space<vmem>>) semaphore(%arg20 : memref<!tpu.dma_semaphore, #tpu.memory_space<semaphore_mem>>)
      } else {
      }
      %dma_wait3A_185 = arith.constant 0 : i32
      %dma_wait3A_186 = arith.constant 0 : i32
      %dma_wait3A_187 = tpu.memref_slice %arg3[%dma_wait3A_185, %dma_wait3A_186] : memref<1024x768xf32, #tpu.memory_space<hbm>> -> memref<16x768xf32, #tpu.memory_space<hbm>>
      %dma_wait3A_188 = arith.constant 0 : i32
      %dma_wait3A_189 = arith.constant 0 : i32
      %dma_wait3A_190 = tpu.memref_slice %arg3[%dma_wait3A_188, %dma_wait3A_189] : memref<1024x768xf32, #tpu.memory_space<hbm>> -> memref<16x768xf32, #tpu.memory_space<hbm>>
      tpu.wait_dma2 semaphore(%arg16 : memref<!tpu.dma_semaphore, #tpu.memory_space<semaphore_mem>>) src(%dma_wait3A_190 : memref<16x768xf32, #tpu.memory_space<hbm>>) dst(%arg8 : memref<16x768xf32, #tpu.memory_space<vmem>>)
      %mul3A_191 = arith.constant 4608 : i32
      %mul3A_192 = arith.muli %select_n3A, %mul3A_191 : i32
      %add3A_193 = arith.constant 512 : i32
      %add3A_194 = arith.addi %mul3A_192, %add3A_193 : i32
      %add3A_195 = arith.addi %add3A_194, %mul3A_21 : i32
      %mul3A_196 = arith.constant 16 : i32
      %mul3A_197 = arith.muli %add3A_169, %mul3A_196 : i32
      %add3A_198 = arith.addi %add3A_195, %mul3A_197 : i32
      %dma_start3A_199 = arith.constant 0 : i32
      %dma_start3A_200 = tpu.memref_slice %arg4[%add3A_198, %dma_start3A_199] : memref<18432x768xf32, #tpu.memory_space<hbm>> -> memref<16x768xf32, #tpu.memory_space<hbm>>
      %dma_start3A_201 = arith.constant 0 : i32
      %dma_start3A_202 = tpu.memref_slice %arg4[%add3A_198, %dma_start3A_201] : memref<18432x768xf32, #tpu.memory_space<hbm>> -> memref<16x768xf32, #tpu.memory_space<hbm>>
      tpu.enqueue_dma source(%arg8 : memref<16x768xf32, #tpu.memory_space<vmem>>) target(%dma_start3A_202 : memref<16x768xf32, #tpu.memory_space<hbm>>) target_semaphore(%arg24 : memref<!tpu.dma_semaphore, #tpu.memory_space<semaphore_mem>>)
      %mul3A_203 = arith.constant 8 : i32
      %mul3A_204 = arith.muli %scan3A_94, %mul3A_203 : i32
      %add3A_205 = arith.constant 3 : i32
      %add3A_206 = arith.addi %mul3A_204, %add3A_205 : i32
      %add3A_207 = arith.constant 4 : i32
      %add3A_208 = arith.addi %add3A_206, %add3A_207 : i32
      %ge3A_209 = arith.constant 4 : i32
      %ge3A_210 = arith.cmpi sge, %add3A_206, %ge3A_209 : i32
      %lt3A_211 = arith.constant 32 : i32
      %lt3A_212 = arith.cmpi slt, %add3A_208, %lt3A_211 : i32
      %and3A_213 = arith.andi %ge3A_210, %lt3A_212 : i1
      %convert_element_type3A_214 = arith.extui %and3A_213 : i1 to i32
      %cond3A_215 = arith.constant 0 : i32
      %cond3A_216 = arith.cmpi ne, %convert_element_type3A_214, %cond3A_215 : i32
      scf.if %cond3A_216 {
        %dma_wait3A_389 = arith.constant 0 : i32
        %dma_wait3A_390 = arith.constant 0 : i32
        %dma_wait3A_391 = tpu.memref_slice %arg4[%dma_wait3A_389, %dma_wait3A_390] : memref<18432x768xf32, #tpu.memory_space<hbm>> -> memref<16x768xf32, #tpu.memory_space<hbm>>
        %dma_wait3A_392 = arith.constant 0 : i32
        %dma_wait3A_393 = arith.constant 0 : i32
        %dma_wait3A_394 = tpu.memref_slice %arg4[%dma_wait3A_392, %dma_wait3A_393] : memref<18432x768xf32, #tpu.memory_space<hbm>> -> memref<16x768xf32, #tpu.memory_space<hbm>>
        tpu.wait_dma2 semaphore(%arg29 : memref<!tpu.dma_semaphore, #tpu.memory_space<semaphore_mem>>) src(%arg13 : memref<16x768xf32, #tpu.memory_space<vmem>>) dst(%dma_wait3A_394 : memref<16x768xf32, #tpu.memory_space<hbm>>)
      } else {
      }
      %lt3A_217 = arith.constant 32 : i32
      %lt3A_218 = arith.cmpi slt, %add3A_208, %lt3A_217 : i32
      %convert_element_type3A_219 = arith.extui %lt3A_218 : i1 to i32
      %cond3A_220 = arith.constant 0 : i32
      %cond3A_221 = arith.cmpi ne, %convert_element_type3A_219, %cond3A_220 : i32
      scf.if %cond3A_221 {
        %mul3A_389 = arith.constant 16 : i32
        %mul3A_390 = arith.muli %add3A_208, %mul3A_389 : i32
        %dma_start3A_391 = tpu.memref_slice %arg5[%mul3A_390] : memref<512xi32, #tpu.memory_space<vmem>> -> memref<16xi32, #tpu.memory_space<vmem>>
        %dma_start3A_392 = arith.constant 0 : i32
        %dma_start3A_393 = arith.constant 0 : i32
        %dma_start3A_394 = tpu.memref_slice %arg3[%dma_start3A_392, %dma_start3A_393] : memref<1024x768xf32, #tpu.memory_space<hbm>> -> memref<1024x768xf32, #tpu.memory_space<hbm>>
        tpu.enqueue_indirect_dma source(%dma_start3A_394 : memref<1024x768xf32, #tpu.memory_space<hbm>>) target(%arg13 : memref<16x768xf32, #tpu.memory_space<vmem>>) offsets(%dma_start3A_391 : memref<16xi32, #tpu.memory_space<vmem>>) semaphore(%arg21 : memref<!tpu.dma_semaphore, #tpu.memory_space<semaphore_mem>>)
      } else {
      }
      %dma_wait3A_222 = arith.constant 0 : i32
      %dma_wait3A_223 = arith.constant 0 : i32
      %dma_wait3A_224 = tpu.memref_slice %arg3[%dma_wait3A_222, %dma_wait3A_223] : memref<1024x768xf32, #tpu.memory_space<hbm>> -> memref<16x768xf32, #tpu.memory_space<hbm>>
      %dma_wait3A_225 = arith.constant 0 : i32
      %dma_wait3A_226 = arith.constant 0 : i32
      %dma_wait3A_227 = tpu.memref_slice %arg3[%dma_wait3A_225, %dma_wait3A_226] : memref<1024x768xf32, #tpu.memory_space<hbm>> -> memref<16x768xf32, #tpu.memory_space<hbm>>
      tpu.wait_dma2 semaphore(%arg17 : memref<!tpu.dma_semaphore, #tpu.memory_space<semaphore_mem>>) src(%dma_wait3A_227 : memref<16x768xf32, #tpu.memory_space<hbm>>) dst(%arg9 : memref<16x768xf32, #tpu.memory_space<vmem>>)
      %mul3A_228 = arith.constant 4608 : i32
      %mul3A_229 = arith.muli %select_n3A, %mul3A_228 : i32
      %add3A_230 = arith.constant 512 : i32
      %add3A_231 = arith.addi %mul3A_229, %add3A_230 : i32
      %add3A_232 = arith.addi %add3A_231, %mul3A_21 : i32
      %mul3A_233 = arith.constant 16 : i32
      %mul3A_234 = arith.muli %add3A_206, %mul3A_233 : i32
      %add3A_235 = arith.addi %add3A_232, %mul3A_234 : i32
      %dma_start3A_236 = arith.constant 0 : i32
      %dma_start3A_237 = tpu.memref_slice %arg4[%add3A_235, %dma_start3A_236] : memref<18432x768xf32, #tpu.memory_space<hbm>> -> memref<16x768xf32, #tpu.memory_space<hbm>>
      %dma_start3A_238 = arith.constant 0 : i32
      %dma_start3A_239 = tpu.memref_slice %arg4[%add3A_235, %dma_start3A_238] : memref<18432x768xf32, #tpu.memory_space<hbm>> -> memref<16x768xf32, #tpu.memory_space<hbm>>
      tpu.enqueue_dma source(%arg9 : memref<16x768xf32, #tpu.memory_space<vmem>>) target(%dma_start3A_239 : memref<16x768xf32, #tpu.memory_space<hbm>>) target_semaphore(%arg25 : memref<!tpu.dma_semaphore, #tpu.memory_space<semaphore_mem>>)
      %mul3A_240 = arith.constant 8 : i32
      %mul3A_241 = arith.muli %scan3A_94, %mul3A_240 : i32
      %add3A_242 = arith.constant 4 : i32
      %add3A_243 = arith.addi %mul3A_241, %add3A_242 : i32
      %add3A_244 = arith.constant 4 : i32
      %add3A_245 = arith.addi %add3A_243, %add3A_244 : i32
      %ge3A_246 = arith.constant 4 : i32
      %ge3A_247 = arith.cmpi sge, %add3A_243, %ge3A_246 : i32
      %lt3A_248 = arith.constant 32 : i32
      %lt3A_249 = arith.cmpi slt, %add3A_245, %lt3A_248 : i32
      %and3A_250 = arith.andi %ge3A_247, %lt3A_249 : i1
      %convert_element_type3A_251 = arith.extui %and3A_250 : i1 to i32
      %cond3A_252 = arith.constant 0 : i32
      %cond3A_253 = arith.cmpi ne, %convert_element_type3A_251, %cond3A_252 : i32
      scf.if %cond3A_253 {
        %dma_wait3A_389 = arith.constant 0 : i32
        %dma_wait3A_390 = arith.constant 0 : i32
        %dma_wait3A_391 = tpu.memref_slice %arg4[%dma_wait3A_389, %dma_wait3A_390] : memref<18432x768xf32, #tpu.memory_space<hbm>> -> memref<16x768xf32, #tpu.memory_space<hbm>>
        %dma_wait3A_392 = arith.constant 0 : i32
        %dma_wait3A_393 = arith.constant 0 : i32
        %dma_wait3A_394 = tpu.memref_slice %arg4[%dma_wait3A_392, %dma_wait3A_393] : memref<18432x768xf32, #tpu.memory_space<hbm>> -> memref<16x768xf32, #tpu.memory_space<hbm>>
        tpu.wait_dma2 semaphore(%arg22 : memref<!tpu.dma_semaphore, #tpu.memory_space<semaphore_mem>>) src(%arg6 : memref<16x768xf32, #tpu.memory_space<vmem>>) dst(%dma_wait3A_394 : memref<16x768xf32, #tpu.memory_space<hbm>>)
      } else {
      }
      %lt3A_254 = arith.constant 32 : i32
      %lt3A_255 = arith.cmpi slt, %add3A_245, %lt3A_254 : i32
      %convert_element_type3A_256 = arith.extui %lt3A_255 : i1 to i32
      %cond3A_257 = arith.constant 0 : i32
      %cond3A_258 = arith.cmpi ne, %convert_element_type3A_256, %cond3A_257 : i32
      scf.if %cond3A_258 {
        %mul3A_389 = arith.constant 16 : i32
        %mul3A_390 = arith.muli %add3A_245, %mul3A_389 : i32
        %dma_start3A_391 = tpu.memref_slice %arg5[%mul3A_390] : memref<512xi32, #tpu.memory_space<vmem>> -> memref<16xi32, #tpu.memory_space<vmem>>
        %dma_start3A_392 = arith.constant 0 : i32
        %dma_start3A_393 = arith.constant 0 : i32
        %dma_start3A_394 = tpu.memref_slice %arg3[%dma_start3A_392, %dma_start3A_393] : memref<1024x768xf32, #tpu.memory_space<hbm>> -> memref<1024x768xf32, #tpu.memory_space<hbm>>
        tpu.enqueue_indirect_dma source(%dma_start3A_394 : memref<1024x768xf32, #tpu.memory_space<hbm>>) target(%arg6 : memref<16x768xf32, #tpu.memory_space<vmem>>) offsets(%dma_start3A_391 : memref<16xi32, #tpu.memory_space<vmem>>) semaphore(%arg14 : memref<!tpu.dma_semaphore, #tpu.memory_space<semaphore_mem>>)
      } else {
      }
      %dma_wait3A_259 = arith.constant 0 : i32
      %dma_wait3A_260 = arith.constant 0 : i32
      %dma_wait3A_261 = tpu.memref_slice %arg3[%dma_wait3A_259, %dma_wait3A_260] : memref<1024x768xf32, #tpu.memory_space<hbm>> -> memref<16x768xf32, #tpu.memory_space<hbm>>
      %dma_wait3A_262 = arith.constant 0 : i32
      %dma_wait3A_263 = arith.constant 0 : i32
      %dma_wait3A_264 = tpu.memref_slice %arg3[%dma_wait3A_262, %dma_wait3A_263] : memref<1024x768xf32, #tpu.memory_space<hbm>> -> memref<16x768xf32, #tpu.memory_space<hbm>>
      tpu.wait_dma2 semaphore(%arg18 : memref<!tpu.dma_semaphore, #tpu.memory_space<semaphore_mem>>) src(%dma_wait3A_264 : memref<16x768xf32, #tpu.memory_space<hbm>>) dst(%arg10 : memref<16x768xf32, #tpu.memory_space<vmem>>)
      %mul3A_265 = arith.constant 4608 : i32
      %mul3A_266 = arith.muli %select_n3A, %mul3A_265 : i32
      %add3A_267 = arith.constant 512 : i32
      %add3A_268 = arith.addi %mul3A_266, %add3A_267 : i32
      %add3A_269 = arith.addi %add3A_268, %mul3A_21 : i32
      %mul3A_270 = arith.constant 16 : i32
      %mul3A_271 = arith.muli %add3A_243, %mul3A_270 : i32
      %add3A_272 = arith.addi %add3A_269, %mul3A_271 : i32
      %dma_start3A_273 = arith.constant 0 : i32
      %dma_start3A_274 = tpu.memref_slice %arg4[%add3A_272, %dma_start3A_273] : memref<18432x768xf32, #tpu.memory_space<hbm>> -> memref<16x768xf32, #tpu.memory_space<hbm>>
      %dma_start3A_275 = arith.constant 0 : i32
      %dma_start3A_276 = tpu.memref_slice %arg4[%add3A_272, %dma_start3A_275] : memref<18432x768xf32, #tpu.memory_space<hbm>> -> memref<16x768xf32, #tpu.memory_space<hbm>>
      tpu.enqueue_dma source(%arg10 : memref<16x768xf32, #tpu.memory_space<vmem>>) target(%dma_start3A_276 : memref<16x768xf32, #tpu.memory_space<hbm>>) target_semaphore(%arg26 : memref<!tpu.dma_semaphore, #tpu.memory_space<semaphore_mem>>)
      %mul3A_277 = arith.constant 8 : i32
      %mul3A_278 = arith.muli %scan3A_94, %mul3A_277 : i32
      %add3A_279 = arith.constant 5 : i32
      %add3A_280 = arith.addi %mul3A_278, %add3A_279 : i32
      %add3A_281 = arith.constant 4 : i32
      %add3A_282 = arith.addi %add3A_280, %add3A_281 : i32
      %ge3A_283 = arith.constant 4 : i32
      %ge3A_284 = arith.cmpi sge, %add3A_280, %ge3A_283 : i32
      %lt3A_285 = arith.constant 32 : i32
      %lt3A_286 = arith.cmpi slt, %add3A_282, %lt3A_285 : i32
      %and3A_287 = arith.andi %ge3A_284, %lt3A_286 : i1
      %convert_element_type3A_288 = arith.extui %and3A_287 : i1 to i32
      %cond3A_289 = arith.constant 0 : i32
      %cond3A_290 = arith.cmpi ne, %convert_element_type3A_288, %cond3A_289 : i32
      scf.if %cond3A_290 {
        %dma_wait3A_389 = arith.constant 0 : i32
        %dma_wait3A_390 = arith.constant 0 : i32
        %dma_wait3A_391 = tpu.memref_slice %arg4[%dma_wait3A_389, %dma_wait3A_390] : memref<18432x768xf32, #tpu.memory_space<hbm>> -> memref<16x768xf32, #tpu.memory_space<hbm>>
        %dma_wait3A_392 = arith.constant 0 : i32
        %dma_wait3A_393 = arith.constant 0 : i32
        %dma_wait3A_394 = tpu.memref_slice %arg4[%dma_wait3A_392, %dma_wait3A_393] : memref<18432x768xf32, #tpu.memory_space<hbm>> -> memref<16x768xf32, #tpu.memory_space<hbm>>
        tpu.wait_dma2 semaphore(%arg23 : memref<!tpu.dma_semaphore, #tpu.memory_space<semaphore_mem>>) src(%arg7 : memref<16x768xf32, #tpu.memory_space<vmem>>) dst(%dma_wait3A_394 : memref<16x768xf32, #tpu.memory_space<hbm>>)
      } else {
      }
      %lt3A_291 = arith.constant 32 : i32
      %lt3A_292 = arith.cmpi slt, %add3A_282, %lt3A_291 : i32
      %convert_element_type3A_293 = arith.extui %lt3A_292 : i1 to i32
      %cond3A_294 = arith.constant 0 : i32
      %cond3A_295 = arith.cmpi ne, %convert_element_type3A_293, %cond3A_294 : i32
      scf.if %cond3A_295 {
        %mul3A_389 = arith.constant 16 : i32
        %mul3A_390 = arith.muli %add3A_282, %mul3A_389 : i32
        %dma_start3A_391 = tpu.memref_slice %arg5[%mul3A_390] : memref<512xi32, #tpu.memory_space<vmem>> -> memref<16xi32, #tpu.memory_space<vmem>>
        %dma_start3A_392 = arith.constant 0 : i32
        %dma_start3A_393 = arith.constant 0 : i32
        %dma_start3A_394 = tpu.memref_slice %arg3[%dma_start3A_392, %dma_start3A_393] : memref<1024x768xf32, #tpu.memory_space<hbm>> -> memref<1024x768xf32, #tpu.memory_space<hbm>>
        tpu.enqueue_indirect_dma source(%dma_start3A_394 : memref<1024x768xf32, #tpu.memory_space<hbm>>) target(%arg7 : memref<16x768xf32, #tpu.memory_space<vmem>>) offsets(%dma_start3A_391 : memref<16xi32, #tpu.memory_space<vmem>>) semaphore(%arg15 : memref<!tpu.dma_semaphore, #tpu.memory_space<semaphore_mem>>)
      } else {
      }
      %dma_wait3A_296 = arith.constant 0 : i32
      %dma_wait3A_297 = arith.constant 0 : i32
      %dma_wait3A_298 = tpu.memref_slice %arg3[%dma_wait3A_296, %dma_wait3A_297] : memref<1024x768xf32, #tpu.memory_space<hbm>> -> memref<16x768xf32, #tpu.memory_space<hbm>>
      %dma_wait3A_299 = arith.constant 0 : i32
      %dma_wait3A_300 = arith.constant 0 : i32
      %dma_wait3A_301 = tpu.memref_slice %arg3[%dma_wait3A_299, %dma_wait3A_300] : memref<1024x768xf32, #tpu.memory_space<hbm>> -> memref<16x768xf32, #tpu.memory_space<hbm>>
      tpu.wait_dma2 semaphore(%arg19 : memref<!tpu.dma_semaphore, #tpu.memory_space<semaphore_mem>>) src(%dma_wait3A_301 : memref<16x768xf32, #tpu.memory_space<hbm>>) dst(%arg11 : memref<16x768xf32, #tpu.memory_space<vmem>>)
      %mul3A_302 = arith.constant 4608 : i32
      %mul3A_303 = arith.muli %select_n3A, %mul3A_302 : i32
      %add3A_304 = arith.constant 512 : i32
      %add3A_305 = arith.addi %mul3A_303, %add3A_304 : i32
      %add3A_306 = arith.addi %add3A_305, %mul3A_21 : i32
      %mul3A_307 = arith.constant 16 : i32
      %mul3A_308 = arith.muli %add3A_280, %mul3A_307 : i32
      %add3A_309 = arith.addi %add3A_306, %mul3A_308 : i32
      %dma_start3A_310 = arith.constant 0 : i32
      %dma_start3A_311 = tpu.memref_slice %arg4[%add3A_309, %dma_start3A_310] : memref<18432x768xf32, #tpu.memory_space<hbm>> -> memref<16x768xf32, #tpu.memory_space<hbm>>
      %dma_start3A_312 = arith.constant 0 : i32
      %dma_start3A_313 = tpu.memref_slice %arg4[%add3A_309, %dma_start3A_312] : memref<18432x768xf32, #tpu.memory_space<hbm>> -> memref<16x768xf32, #tpu.memory_space<hbm>>
      tpu.enqueue_dma source(%arg11 : memref<16x768xf32, #tpu.memory_space<vmem>>) target(%dma_start3A_313 : memref<16x768xf32, #tpu.memory_space<hbm>>) target_semaphore(%arg27 : memref<!tpu.dma_semaphore, #tpu.memory_space<semaphore_mem>>)
      %mul3A_314 = arith.constant 8 : i32
      %mul3A_315 = arith.muli %scan3A_94, %mul3A_314 : i32
      %add3A_316 = arith.constant 6 : i32
      %add3A_317 = arith.addi %mul3A_315, %add3A_316 : i32
      %add3A_318 = arith.constant 4 : i32
      %add3A_319 = arith.addi %add3A_317, %add3A_318 : i32
      %ge3A_320 = arith.constant 4 : i32
      %ge3A_321 = arith.cmpi sge, %add3A_317, %ge3A_320 : i32
      %lt3A_322 = arith.constant 32 : i32
      %lt3A_323 = arith.cmpi slt, %add3A_319, %lt3A_322 : i32
      %and3A_324 = arith.andi %ge3A_321, %lt3A_323 : i1
      %convert_element_type3A_325 = arith.extui %and3A_324 : i1 to i32
      %cond3A_326 = arith.constant 0 : i32
      %cond3A_327 = arith.cmpi ne, %convert_element_type3A_325, %cond3A_326 : i32
      scf.if %cond3A_327 {
        %dma_wait3A_389 = arith.constant 0 : i32
        %dma_wait3A_390 = arith.constant 0 : i32
        %dma_wait3A_391 = tpu.memref_slice %arg4[%dma_wait3A_389, %dma_wait3A_390] : memref<18432x768xf32, #tpu.memory_space<hbm>> -> memref<16x768xf32, #tpu.memory_space<hbm>>
        %dma_wait3A_392 = arith.constant 0 : i32
        %dma_wait3A_393 = arith.constant 0 : i32
        %dma_wait3A_394 = tpu.memref_slice %arg4[%dma_wait3A_392, %dma_wait3A_393] : memref<18432x768xf32, #tpu.memory_space<hbm>> -> memref<16x768xf32, #tpu.memory_space<hbm>>
        tpu.wait_dma2 semaphore(%arg24 : memref<!tpu.dma_semaphore, #tpu.memory_space<semaphore_mem>>) src(%arg8 : memref<16x768xf32, #tpu.memory_space<vmem>>) dst(%dma_wait3A_394 : memref<16x768xf32, #tpu.memory_space<hbm>>)
      } else {
      }
      %lt3A_328 = arith.constant 32 : i32
      %lt3A_329 = arith.cmpi slt, %add3A_319, %lt3A_328 : i32
      %convert_element_type3A_330 = arith.extui %lt3A_329 : i1 to i32
      %cond3A_331 = arith.constant 0 : i32
      %cond3A_332 = arith.cmpi ne, %convert_element_type3A_330, %cond3A_331 : i32
      scf.if %cond3A_332 {
        %mul3A_389 = arith.constant 16 : i32
        %mul3A_390 = arith.muli %add3A_319, %mul3A_389 : i32
        %dma_start3A_391 = tpu.memref_slice %arg5[%mul3A_390] : memref<512xi32, #tpu.memory_space<vmem>> -> memref<16xi32, #tpu.memory_space<vmem>>
        %dma_start3A_392 = arith.constant 0 : i32
        %dma_start3A_393 = arith.constant 0 : i32
        %dma_start3A_394 = tpu.memref_slice %arg3[%dma_start3A_392, %dma_start3A_393] : memref<1024x768xf32, #tpu.memory_space<hbm>> -> memref<1024x768xf32, #tpu.memory_space<hbm>>
        tpu.enqueue_indirect_dma source(%dma_start3A_394 : memref<1024x768xf32, #tpu.memory_space<hbm>>) target(%arg8 : memref<16x768xf32, #tpu.memory_space<vmem>>) offsets(%dma_start3A_391 : memref<16xi32, #tpu.memory_space<vmem>>) semaphore(%arg16 : memref<!tpu.dma_semaphore, #tpu.memory_space<semaphore_mem>>)
      } else {
      }
      %dma_wait3A_333 = arith.constant 0 : i32
      %dma_wait3A_334 = arith.constant 0 : i32
      %dma_wait3A_335 = tpu.memref_slice %arg3[%dma_wait3A_333, %dma_wait3A_334] : memref<1024x768xf32, #tpu.memory_space<hbm>> -> memref<16x768xf32, #tpu.memory_space<hbm>>
      %dma_wait3A_336 = arith.constant 0 : i32
      %dma_wait3A_337 = arith.constant 0 : i32
      %dma_wait3A_338 = tpu.memref_slice %arg3[%dma_wait3A_336, %dma_wait3A_337] : memref<1024x768xf32, #tpu.memory_space<hbm>> -> memref<16x768xf32, #tpu.memory_space<hbm>>
      tpu.wait_dma2 semaphore(%arg20 : memref<!tpu.dma_semaphore, #tpu.memory_space<semaphore_mem>>) src(%dma_wait3A_338 : memref<16x768xf32, #tpu.memory_space<hbm>>) dst(%arg12 : memref<16x768xf32, #tpu.memory_space<vmem>>)
      %mul3A_339 = arith.constant 4608 : i32
      %mul3A_340 = arith.muli %select_n3A, %mul3A_339 : i32
      %add3A_341 = arith.constant 512 : i32
      %add3A_342 = arith.addi %mul3A_340, %add3A_341 : i32
      %add3A_343 = arith.addi %add3A_342, %mul3A_21 : i32
      %mul3A_344 = arith.constant 16 : i32
      %mul3A_345 = arith.muli %add3A_317, %mul3A_344 : i32
      %add3A_346 = arith.addi %add3A_343, %mul3A_345 : i32
      %dma_start3A_347 = arith.constant 0 : i32
      %dma_start3A_348 = tpu.memref_slice %arg4[%add3A_346, %dma_start3A_347] : memref<18432x768xf32, #tpu.memory_space<hbm>> -> memref<16x768xf32, #tpu.memory_space<hbm>>
      %dma_start3A_349 = arith.constant 0 : i32
      %dma_start3A_350 = tpu.memref_slice %arg4[%add3A_346, %dma_start3A_349] : memref<18432x768xf32, #tpu.memory_space<hbm>> -> memref<16x768xf32, #tpu.memory_space<hbm>>
      tpu.enqueue_dma source(%arg12 : memref<16x768xf32, #tpu.memory_space<vmem>>) target(%dma_start3A_350 : memref<16x768xf32, #tpu.memory_space<hbm>>) target_semaphore(%arg28 : memref<!tpu.dma_semaphore, #tpu.memory_space<semaphore_mem>>)
      %mul3A_351 = arith.constant 8 : i32
      %mul3A_352 = arith.muli %scan3A_94, %mul3A_351 : i32
      %add3A_353 = arith.constant 7 : i32
      %add3A_354 = arith.addi %mul3A_352, %add3A_353 : i32
      %add3A_355 = arith.constant 4 : i32
      %add3A_356 = arith.addi %add3A_354, %add3A_355 : i32
      %ge3A_357 = arith.constant 4 : i32
      %ge3A_358 = arith.cmpi sge, %add3A_354, %ge3A_357 : i32
      %lt3A_359 = arith.constant 32 : i32
      %lt3A_360 = arith.cmpi slt, %add3A_356, %lt3A_359 : i32
      %and3A_361 = arith.andi %ge3A_358, %lt3A_360 : i1
      %convert_element_type3A_362 = arith.extui %and3A_361 : i1 to i32
      %cond3A_363 = arith.constant 0 : i32
      %cond3A_364 = arith.cmpi ne, %convert_element_type3A_362, %cond3A_363 : i32
      scf.if %cond3A_364 {
        %dma_wait3A_389 = arith.constant 0 : i32
        %dma_wait3A_390 = arith.constant 0 : i32
        %dma_wait3A_391 = tpu.memref_slice %arg4[%dma_wait3A_389, %dma_wait3A_390] : memref<18432x768xf32, #tpu.memory_space<hbm>> -> memref<16x768xf32, #tpu.memory_space<hbm>>
        %dma_wait3A_392 = arith.constant 0 : i32
        %dma_wait3A_393 = arith.constant 0 : i32
        %dma_wait3A_394 = tpu.memref_slice %arg4[%dma_wait3A_392, %dma_wait3A_393] : memref<18432x768xf32, #tpu.memory_space<hbm>> -> memref<16x768xf32, #tpu.memory_space<hbm>>
        tpu.wait_dma2 semaphore(%arg25 : memref<!tpu.dma_semaphore, #tpu.memory_space<semaphore_mem>>) src(%arg9 : memref<16x768xf32, #tpu.memory_space<vmem>>) dst(%dma_wait3A_394 : memref<16x768xf32, #tpu.memory_space<hbm>>)
      } else {
      }
      %lt3A_365 = arith.constant 32 : i32
      %lt3A_366 = arith.cmpi slt, %add3A_356, %lt3A_365 : i32
      %convert_element_type3A_367 = arith.extui %lt3A_366 : i1 to i32
      %cond3A_368 = arith.constant 0 : i32
      %cond3A_369 = arith.cmpi ne, %convert_element_type3A_367, %cond3A_368 : i32
      scf.if %cond3A_369 {
        %mul3A_389 = arith.constant 16 : i32
        %mul3A_390 = arith.muli %add3A_356, %mul3A_389 : i32
        %dma_start3A_391 = tpu.memref_slice %arg5[%mul3A_390] : memref<512xi32, #tpu.memory_space<vmem>> -> memref<16xi32, #tpu.memory_space<vmem>>
        %dma_start3A_392 = arith.constant 0 : i32
        %dma_start3A_393 = arith.constant 0 : i32
        %dma_start3A_394 = tpu.memref_slice %arg3[%dma_start3A_392, %dma_start3A_393] : memref<1024x768xf32, #tpu.memory_space<hbm>> -> memref<1024x768xf32, #tpu.memory_space<hbm>>
        tpu.enqueue_indirect_dma source(%dma_start3A_394 : memref<1024x768xf32, #tpu.memory_space<hbm>>) target(%arg9 : memref<16x768xf32, #tpu.memory_space<vmem>>) offsets(%dma_start3A_391 : memref<16xi32, #tpu.memory_space<vmem>>) semaphore(%arg17 : memref<!tpu.dma_semaphore, #tpu.memory_space<semaphore_mem>>)
      } else {
      }
      %dma_wait3A_370 = arith.constant 0 : i32
      %dma_wait3A_371 = arith.constant 0 : i32
      %dma_wait3A_372 = tpu.memref_slice %arg3[%dma_wait3A_370, %dma_wait3A_371] : memref<1024x768xf32, #tpu.memory_space<hbm>> -> memref<16x768xf32, #tpu.memory_space<hbm>>
      %dma_wait3A_373 = arith.constant 0 : i32
      %dma_wait3A_374 = arith.constant 0 : i32
      %dma_wait3A_375 = tpu.memref_slice %arg3[%dma_wait3A_373, %dma_wait3A_374] : memref<1024x768xf32, #tpu.memory_space<hbm>> -> memref<16x768xf32, #tpu.memory_space<hbm>>
      tpu.wait_dma2 semaphore(%arg21 : memref<!tpu.dma_semaphore, #tpu.memory_space<semaphore_mem>>) src(%dma_wait3A_375 : memref<16x768xf32, #tpu.memory_space<hbm>>) dst(%arg13 : memref<16x768xf32, #tpu.memory_space<vmem>>)
      %mul3A_376 = arith.constant 4608 : i32
      %mul3A_377 = arith.muli %select_n3A, %mul3A_376 : i32
      %add3A_378 = arith.constant 512 : i32
      %add3A_379 = arith.addi %mul3A_377, %add3A_378 : i32
      %add3A_380 = arith.addi %add3A_379, %mul3A_21 : i32
      %mul3A_381 = arith.constant 16 : i32
      %mul3A_382 = arith.muli %add3A_354, %mul3A_381 : i32
      %add3A_383 = arith.addi %add3A_380, %mul3A_382 : i32
      %dma_start3A_384 = arith.constant 0 : i32
      %dma_start3A_385 = tpu.memref_slice %arg4[%add3A_383, %dma_start3A_384] : memref<18432x768xf32, #tpu.memory_space<hbm>> -> memref<16x768xf32, #tpu.memory_space<hbm>>
      %dma_start3A_386 = arith.constant 0 : i32
      %dma_start3A_387 = tpu.memref_slice %arg4[%add3A_383, %dma_start3A_386] : memref<18432x768xf32, #tpu.memory_space<hbm>> -> memref<16x768xf32, #tpu.memory_space<hbm>>
      tpu.enqueue_dma source(%arg13 : memref<16x768xf32, #tpu.memory_space<vmem>>) target(%dma_start3A_387 : memref<16x768xf32, #tpu.memory_space<hbm>>) target_semaphore(%arg29 : memref<!tpu.dma_semaphore, #tpu.memory_space<semaphore_mem>>)
      %scan3A_388 = arith.constant 0 : i32
      scf.yield %scan3A_388 : i32
    }
    %scan3A_46 = arith.constant 4 : i32
    %dma_wait3A = arith.constant 0 : i32
    %dma_wait3A_47 = arith.constant 0 : i32
    %dma_wait3A_48 = tpu.memref_slice %arg4[%dma_wait3A, %dma_wait3A_47] : memref<18432x768xf32, #tpu.memory_space<hbm>> -> memref<16x768xf32, #tpu.memory_space<hbm>>
    %dma_wait3A_49 = arith.constant 0 : i32
    %dma_wait3A_50 = arith.constant 0 : i32
    %dma_wait3A_51 = tpu.memref_slice %arg4[%dma_wait3A_49, %dma_wait3A_50] : memref<18432x768xf32, #tpu.memory_space<hbm>> -> memref<16x768xf32, #tpu.memory_space<hbm>>
    tpu.wait_dma2 semaphore(%arg22 : memref<!tpu.dma_semaphore, #tpu.memory_space<semaphore_mem>>) src(%arg6 : memref<16x768xf32, #tpu.memory_space<vmem>>) dst(%dma_wait3A_51 : memref<16x768xf32, #tpu.memory_space<hbm>>)
    %dma_wait3A_52 = arith.constant 0 : i32
    %dma_wait3A_53 = arith.constant 0 : i32
    %dma_wait3A_54 = tpu.memref_slice %arg4[%dma_wait3A_52, %dma_wait3A_53] : memref<18432x768xf32, #tpu.memory_space<hbm>> -> memref<16x768xf32, #tpu.memory_space<hbm>>
    %dma_wait3A_55 = arith.constant 0 : i32
    %dma_wait3A_56 = arith.constant 0 : i32
    %dma_wait3A_57 = tpu.memref_slice %arg4[%dma_wait3A_55, %dma_wait3A_56] : memref<18432x768xf32, #tpu.memory_space<hbm>> -> memref<16x768xf32, #tpu.memory_space<hbm>>
    tpu.wait_dma2 semaphore(%arg23 : memref<!tpu.dma_semaphore, #tpu.memory_space<semaphore_mem>>) src(%arg7 : memref<16x768xf32, #tpu.memory_space<vmem>>) dst(%dma_wait3A_57 : memref<16x768xf32, #tpu.memory_space<hbm>>)
    %dma_wait3A_58 = arith.constant 0 : i32
    %dma_wait3A_59 = arith.constant 0 : i32
    %dma_wait3A_60 = tpu.memref_slice %arg4[%dma_wait3A_58, %dma_wait3A_59] : memref<18432x768xf32, #tpu.memory_space<hbm>> -> memref<16x768xf32, #tpu.memory_space<hbm>>
    %dma_wait3A_61 = arith.constant 0 : i32
    %dma_wait3A_62 = arith.constant 0 : i32
    %dma_wait3A_63 = tpu.memref_slice %arg4[%dma_wait3A_61, %dma_wait3A_62] : memref<18432x768xf32, #tpu.memory_space<hbm>> -> memref<16x768xf32, #tpu.memory_space<hbm>>
    tpu.wait_dma2 semaphore(%arg24 : memref<!tpu.dma_semaphore, #tpu.memory_space<semaphore_mem>>) src(%arg8 : memref<16x768xf32, #tpu.memory_space<vmem>>) dst(%dma_wait3A_63 : memref<16x768xf32, #tpu.memory_space<hbm>>)
    %dma_wait3A_64 = arith.constant 0 : i32
    %dma_wait3A_65 = arith.constant 0 : i32
    %dma_wait3A_66 = tpu.memref_slice %arg4[%dma_wait3A_64, %dma_wait3A_65] : memref<18432x768xf32, #tpu.memory_space<hbm>> -> memref<16x768xf32, #tpu.memory_space<hbm>>
    %dma_wait3A_67 = arith.constant 0 : i32
    %dma_wait3A_68 = arith.constant 0 : i32
    %dma_wait3A_69 = tpu.memref_slice %arg4[%dma_wait3A_67, %dma_wait3A_68] : memref<18432x768xf32, #tpu.memory_space<hbm>> -> memref<16x768xf32, #tpu.memory_space<hbm>>
    tpu.wait_dma2 semaphore(%arg25 : memref<!tpu.dma_semaphore, #tpu.memory_space<semaphore_mem>>) src(%arg9 : memref<16x768xf32, #tpu.memory_space<vmem>>) dst(%dma_wait3A_69 : memref<16x768xf32, #tpu.memory_space<hbm>>)
    %dma_wait3A_70 = arith.constant 0 : i32
    %dma_wait3A_71 = arith.constant 0 : i32
    %dma_wait3A_72 = tpu.memref_slice %arg4[%dma_wait3A_70, %dma_wait3A_71] : memref<18432x768xf32, #tpu.memory_space<hbm>> -> memref<16x768xf32, #tpu.memory_space<hbm>>
    %dma_wait3A_73 = arith.constant 0 : i32
    %dma_wait3A_74 = arith.constant 0 : i32
    %dma_wait3A_75 = tpu.memref_slice %arg4[%dma_wait3A_73, %dma_wait3A_74] : memref<18432x768xf32, #tpu.memory_space<hbm>> -> memref<16x768xf32, #tpu.memory_space<hbm>>
    tpu.wait_dma2 semaphore(%arg26 : memref<!tpu.dma_semaphore, #tpu.memory_space<semaphore_mem>>) src(%arg10 : memref<16x768xf32, #tpu.memory_space<vmem>>) dst(%dma_wait3A_75 : memref<16x768xf32, #tpu.memory_space<hbm>>)
    %dma_wait3A_76 = arith.constant 0 : i32
    %dma_wait3A_77 = arith.constant 0 : i32
    %dma_wait3A_78 = tpu.memref_slice %arg4[%dma_wait3A_76, %dma_wait3A_77] : memref<18432x768xf32, #tpu.memory_space<hbm>> -> memref<16x768xf32, #tpu.memory_space<hbm>>
    %dma_wait3A_79 = arith.constant 0 : i32
    %dma_wait3A_80 = arith.constant 0 : i32
    %dma_wait3A_81 = tpu.memref_slice %arg4[%dma_wait3A_79, %dma_wait3A_80] : memref<18432x768xf32, #tpu.memory_space<hbm>> -> memref<16x768xf32, #tpu.memory_space<hbm>>
    tpu.wait_dma2 semaphore(%arg27 : memref<!tpu.dma_semaphore, #tpu.memory_space<semaphore_mem>>) src(%arg11 : memref<16x768xf32, #tpu.memory_space<vmem>>) dst(%dma_wait3A_81 : memref<16x768xf32, #tpu.memory_space<hbm>>)
    %dma_wait3A_82 = arith.constant 0 : i32
    %dma_wait3A_83 = arith.constant 0 : i32
    %dma_wait3A_84 = tpu.memref_slice %arg4[%dma_wait3A_82, %dma_wait3A_83] : memref<18432x768xf32, #tpu.memory_space<hbm>> -> memref<16x768xf32, #tpu.memory_space<hbm>>
    %dma_wait3A_85 = arith.constant 0 : i32
    %dma_wait3A_86 = arith.constant 0 : i32
    %dma_wait3A_87 = tpu.memref_slice %arg4[%dma_wait3A_85, %dma_wait3A_86] : memref<18432x768xf32, #tpu.memory_space<hbm>> -> memref<16x768xf32, #tpu.memory_space<hbm>>
    tpu.wait_dma2 semaphore(%arg28 : memref<!tpu.dma_semaphore, #tpu.memory_space<semaphore_mem>>) src(%arg12 : memref<16x768xf32, #tpu.memory_space<vmem>>) dst(%dma_wait3A_87 : memref<16x768xf32, #tpu.memory_space<hbm>>)
    %dma_wait3A_88 = arith.constant 0 : i32
    %dma_wait3A_89 = arith.constant 0 : i32
    %dma_wait3A_90 = tpu.memref_slice %arg4[%dma_wait3A_88, %dma_wait3A_89] : memref<18432x768xf32, #tpu.memory_space<hbm>> -> memref<16x768xf32, #tpu.memory_space<hbm>>
    %dma_wait3A_91 = arith.constant 0 : i32
    %dma_wait3A_92 = arith.constant 0 : i32
    %dma_wait3A_93 = tpu.memref_slice %arg4[%dma_wait3A_91, %dma_wait3A_92] : memref<18432x768xf32, #tpu.memory_space<hbm>> -> memref<16x768xf32, #tpu.memory_space<hbm>>
    tpu.wait_dma2 semaphore(%arg29 : memref<!tpu.dma_semaphore, #tpu.memory_space<semaphore_mem>>) src(%arg13 : memref<16x768xf32, #tpu.memory_space<vmem>>) dst(%dma_wait3A_93 : memref<16x768xf32, #tpu.memory_space<hbm>>)
    return
  }
}

module attributes {stable_mosaic.version = 14 : i64} {
  func.func @_tc_body(%arg0: memref<1024x16xi32, #tpu.memory_space<vmem>>, %arg1: memref<1024x768xf32, #tpu.memory_space<vmem>>, %arg2: memref<1024x768xf32, #tpu.memory_space<vmem>>, %arg3: memref<1024x1024xf32, #tpu.memory_space<vmem>>, %arg4: memref<2048x768xf32, #tpu.memory_space<vmem>>, %arg5: memref<4x256xi32, #tpu.memory_space<vmem>>) attributes {dimension_semantics = [], scalar_prefetch = 0 : i64, scratch_operands = 0 : i64, tpu.core_type = #tpu.core_type<tc>} {
    %iota3A = tpu.iota {dimensions = array<i32: 1>} : vector<1024x1024xi32>
    %get3A = arith.constant 0 : index
    %get3A_0 = arith.constant 0 : index
    %get3A_1 = vector.load %arg0[%get3A, %get3A_0] : memref<1024x16xi32, #tpu.memory_space<vmem>>, vector<1024x1xi32>
    %reshape3A = vector.shape_cast %get3A_1 : vector<1024x1xi32> to vector<4x256xi32>
    %swap3A = arith.constant 0 : index
    %swap3A_2 = arith.constant 0 : index
    %swap3A_3 = vector.load %arg5[%swap3A, %swap3A_2] : memref<4x256xi32, #tpu.memory_space<vmem>>, vector<4x256xi32>
    tpu.vector_store %arg5[%swap3A, %swap3A_2], %reshape3A {strides = array<i32>} : memref<4x256xi32, #tpu.memory_space<vmem>>, vector<4x256xi32>,
    %broadcast_in_dim3A = arith.constant 0.000000e+00 : f32
    %broadcast_in_dim3A_4 = vector.broadcast %broadcast_in_dim3A : f32 to vector<1024x1024xf32>
    %get3A_5 = arith.constant 0 : index
    %get3A_6 = arith.constant 0 : index
    %get3A_7 = vector.load %arg0[%get3A_5, %get3A_6] : memref<1024x16xi32, #tpu.memory_space<vmem>>, vector<1024x1xi32>
    %eq3A = vector.broadcast %get3A_7 : vector<1024x1xi32> to vector<1024x1024xi32>
    %eq3A_8 = arith.cmpi eq, %eq3A, %iota3A : vector<1024x1024xi32>
    %convert_element_type3A = arith.extui %eq3A_8 : vector<1024x1024xi1> to vector<1024x1024xi32>
    %convert_element_type3A_9 = arith.sitofp %convert_element_type3A : vector<1024x1024xi32> to vector<1024x1024xf32>
    %add3A = arith.addf %broadcast_in_dim3A_4, %convert_element_type3A_9 : vector<1024x1024xf32>
    %get3A_10 = arith.constant 0 : index
    %get3A_11 = arith.constant 1 : index
    %get3A_12 = vector.load %arg0[%get3A_10, %get3A_11] : memref<1024x16xi32, #tpu.memory_space<vmem>>, vector<1024x1xi32>
    %eq3A_13 = vector.broadcast %get3A_12 : vector<1024x1xi32> to vector<1024x1024xi32>
    %eq3A_14 = arith.cmpi eq, %eq3A_13, %iota3A : vector<1024x1024xi32>
    %convert_element_type3A_15 = arith.extui %eq3A_14 : vector<1024x1024xi1> to vector<1024x1024xi32>
    %convert_element_type3A_16 = arith.sitofp %convert_element_type3A_15 : vector<1024x1024xi32> to vector<1024x1024xf32>
    %add3A_17 = arith.addf %add3A, %convert_element_type3A_16 : vector<1024x1024xf32>
    %get3A_18 = arith.constant 0 : index
    %get3A_19 = arith.constant 2 : index
    %get3A_20 = vector.load %arg0[%get3A_18, %get3A_19] : memref<1024x16xi32, #tpu.memory_space<vmem>>, vector<1024x1xi32>
    %eq3A_21 = vector.broadcast %get3A_20 : vector<1024x1xi32> to vector<1024x1024xi32>
    %eq3A_22 = arith.cmpi eq, %eq3A_21, %iota3A : vector<1024x1024xi32>
    %convert_element_type3A_23 = arith.extui %eq3A_22 : vector<1024x1024xi1> to vector<1024x1024xi32>
    %convert_element_type3A_24 = arith.sitofp %convert_element_type3A_23 : vector<1024x1024xi32> to vector<1024x1024xf32>
    %add3A_25 = arith.addf %add3A_17, %convert_element_type3A_24 : vector<1024x1024xf32>
    %get3A_26 = arith.constant 0 : index
    %get3A_27 = arith.constant 3 : index
    %get3A_28 = vector.load %arg0[%get3A_26, %get3A_27] : memref<1024x16xi32, #tpu.memory_space<vmem>>, vector<1024x1xi32>
    %eq3A_29 = vector.broadcast %get3A_28 : vector<1024x1xi32> to vector<1024x1024xi32>
    %eq3A_30 = arith.cmpi eq, %eq3A_29, %iota3A : vector<1024x1024xi32>
    %convert_element_type3A_31 = arith.extui %eq3A_30 : vector<1024x1024xi1> to vector<1024x1024xi32>
    %convert_element_type3A_32 = arith.sitofp %convert_element_type3A_31 : vector<1024x1024xi32> to vector<1024x1024xf32>
    %add3A_33 = arith.addf %add3A_25, %convert_element_type3A_32 : vector<1024x1024xf32>
    %get3A_34 = arith.constant 0 : index
    %get3A_35 = arith.constant 4 : index
    %get3A_36 = vector.load %arg0[%get3A_34, %get3A_35] : memref<1024x16xi32, #tpu.memory_space<vmem>>, vector<1024x1xi32>
    %eq3A_37 = vector.broadcast %get3A_36 : vector<1024x1xi32> to vector<1024x1024xi32>
    %eq3A_38 = arith.cmpi eq, %eq3A_37, %iota3A : vector<1024x1024xi32>
    %convert_element_type3A_39 = arith.extui %eq3A_38 : vector<1024x1024xi1> to vector<1024x1024xi32>
    %convert_element_type3A_40 = arith.sitofp %convert_element_type3A_39 : vector<1024x1024xi32> to vector<1024x1024xf32>
    %add3A_41 = arith.addf %add3A_33, %convert_element_type3A_40 : vector<1024x1024xf32>
    %get3A_42 = arith.constant 0 : index
    %get3A_43 = arith.constant 5 : index
    %get3A_44 = vector.load %arg0[%get3A_42, %get3A_43] : memref<1024x16xi32, #tpu.memory_space<vmem>>, vector<1024x1xi32>
    %eq3A_45 = vector.broadcast %get3A_44 : vector<1024x1xi32> to vector<1024x1024xi32>
    %eq3A_46 = arith.cmpi eq, %eq3A_45, %iota3A : vector<1024x1024xi32>
    %convert_element_type3A_47 = arith.extui %eq3A_46 : vector<1024x1024xi1> to vector<1024x1024xi32>
    %convert_element_type3A_48 = arith.sitofp %convert_element_type3A_47 : vector<1024x1024xi32> to vector<1024x1024xf32>
    %add3A_49 = arith.addf %add3A_41, %convert_element_type3A_48 : vector<1024x1024xf32>
    %get3A_50 = arith.constant 0 : index
    %get3A_51 = arith.constant 6 : index
    %get3A_52 = vector.load %arg0[%get3A_50, %get3A_51] : memref<1024x16xi32, #tpu.memory_space<vmem>>, vector<1024x1xi32>
    %eq3A_53 = vector.broadcast %get3A_52 : vector<1024x1xi32> to vector<1024x1024xi32>
    %eq3A_54 = arith.cmpi eq, %eq3A_53, %iota3A : vector<1024x1024xi32>
    %convert_element_type3A_55 = arith.extui %eq3A_54 : vector<1024x1024xi1> to vector<1024x1024xi32>
    %convert_element_type3A_56 = arith.sitofp %convert_element_type3A_55 : vector<1024x1024xi32> to vector<1024x1024xf32>
    %add3A_57 = arith.addf %add3A_49, %convert_element_type3A_56 : vector<1024x1024xf32>
    %get3A_58 = arith.constant 0 : index
    %get3A_59 = arith.constant 7 : index
    %get3A_60 = vector.load %arg0[%get3A_58, %get3A_59] : memref<1024x16xi32, #tpu.memory_space<vmem>>, vector<1024x1xi32>
    %eq3A_61 = vector.broadcast %get3A_60 : vector<1024x1xi32> to vector<1024x1024xi32>
    %eq3A_62 = arith.cmpi eq, %eq3A_61, %iota3A : vector<1024x1024xi32>
    %convert_element_type3A_63 = arith.extui %eq3A_62 : vector<1024x1024xi1> to vector<1024x1024xi32>
    %convert_element_type3A_64 = arith.sitofp %convert_element_type3A_63 : vector<1024x1024xi32> to vector<1024x1024xf32>
    %add3A_65 = arith.addf %add3A_57, %convert_element_type3A_64 : vector<1024x1024xf32>
    %get3A_66 = arith.constant 0 : index
    %get3A_67 = arith.constant 8 : index
    %get3A_68 = vector.load %arg0[%get3A_66, %get3A_67] : memref<1024x16xi32, #tpu.memory_space<vmem>>, vector<1024x1xi32>
    %eq3A_69 = vector.broadcast %get3A_68 : vector<1024x1xi32> to vector<1024x1024xi32>
    %eq3A_70 = arith.cmpi eq, %eq3A_69, %iota3A : vector<1024x1024xi32>
    %convert_element_type3A_71 = arith.extui %eq3A_70 : vector<1024x1024xi1> to vector<1024x1024xi32>
    %convert_element_type3A_72 = arith.sitofp %convert_element_type3A_71 : vector<1024x1024xi32> to vector<1024x1024xf32>
    %add3A_73 = arith.addf %add3A_65, %convert_element_type3A_72 : vector<1024x1024xf32>
    %get3A_74 = arith.constant 0 : index
    %get3A_75 = arith.constant 9 : index
    %get3A_76 = vector.load %arg0[%get3A_74, %get3A_75] : memref<1024x16xi32, #tpu.memory_space<vmem>>, vector<1024x1xi32>
    %eq3A_77 = vector.broadcast %get3A_76 : vector<1024x1xi32> to vector<1024x1024xi32>
    %eq3A_78 = arith.cmpi eq, %eq3A_77, %iota3A : vector<1024x1024xi32>
    %convert_element_type3A_79 = arith.extui %eq3A_78 : vector<1024x1024xi1> to vector<1024x1024xi32>
    %convert_element_type3A_80 = arith.sitofp %convert_element_type3A_79 : vector<1024x1024xi32> to vector<1024x1024xf32>
    %add3A_81 = arith.addf %add3A_73, %convert_element_type3A_80 : vector<1024x1024xf32>
    %get3A_82 = arith.constant 0 : index
    %get3A_83 = arith.constant 10 : index
    %get3A_84 = vector.load %arg0[%get3A_82, %get3A_83] : memref<1024x16xi32, #tpu.memory_space<vmem>>, vector<1024x1xi32>
    %eq3A_85 = vector.broadcast %get3A_84 : vector<1024x1xi32> to vector<1024x1024xi32>
    %eq3A_86 = arith.cmpi eq, %eq3A_85, %iota3A : vector<1024x1024xi32>
    %convert_element_type3A_87 = arith.extui %eq3A_86 : vector<1024x1024xi1> to vector<1024x1024xi32>
    %convert_element_type3A_88 = arith.sitofp %convert_element_type3A_87 : vector<1024x1024xi32> to vector<1024x1024xf32>
    %add3A_89 = arith.addf %add3A_81, %convert_element_type3A_88 : vector<1024x1024xf32>
    %get3A_90 = arith.constant 0 : index
    %get3A_91 = arith.constant 11 : index
    %get3A_92 = vector.load %arg0[%get3A_90, %get3A_91] : memref<1024x16xi32, #tpu.memory_space<vmem>>, vector<1024x1xi32>
    %eq3A_93 = vector.broadcast %get3A_92 : vector<1024x1xi32> to vector<1024x1024xi32>
    %eq3A_94 = arith.cmpi eq, %eq3A_93, %iota3A : vector<1024x1024xi32>
    %convert_element_type3A_95 = arith.extui %eq3A_94 : vector<1024x1024xi1> to vector<1024x1024xi32>
    %convert_element_type3A_96 = arith.sitofp %convert_element_type3A_95 : vector<1024x1024xi32> to vector<1024x1024xf32>
    %add3A_97 = arith.addf %add3A_89, %convert_element_type3A_96 : vector<1024x1024xf32>
    %get3A_98 = arith.constant 0 : index
    %get3A_99 = arith.constant 12 : index
    %get3A_100 = vector.load %arg0[%get3A_98, %get3A_99] : memref<1024x16xi32, #tpu.memory_space<vmem>>, vector<1024x1xi32>
    %eq3A_101 = vector.broadcast %get3A_100 : vector<1024x1xi32> to vector<1024x1024xi32>
    %eq3A_102 = arith.cmpi eq, %eq3A_101, %iota3A : vector<1024x1024xi32>
    %convert_element_type3A_103 = arith.extui %eq3A_102 : vector<1024x1024xi1> to vector<1024x1024xi32>
    %convert_element_type3A_104 = arith.sitofp %convert_element_type3A_103 : vector<1024x1024xi32> to vector<1024x1024xf32>
    %add3A_105 = arith.addf %add3A_97, %convert_element_type3A_104 : vector<1024x1024xf32>
    %get3A_106 = arith.constant 0 : index
    %get3A_107 = arith.constant 13 : index
    %get3A_108 = vector.load %arg0[%get3A_106, %get3A_107] : memref<1024x16xi32, #tpu.memory_space<vmem>>, vector<1024x1xi32>
    %eq3A_109 = vector.broadcast %get3A_108 : vector<1024x1xi32> to vector<1024x1024xi32>
    %eq3A_110 = arith.cmpi eq, %eq3A_109, %iota3A : vector<1024x1024xi32>
    %convert_element_type3A_111 = arith.extui %eq3A_110 : vector<1024x1024xi1> to vector<1024x1024xi32>
    %convert_element_type3A_112 = arith.sitofp %convert_element_type3A_111 : vector<1024x1024xi32> to vector<1024x1024xf32>
    %add3A_113 = arith.addf %add3A_105, %convert_element_type3A_112 : vector<1024x1024xf32>
    %get3A_114 = arith.constant 0 : index
    %get3A_115 = arith.constant 14 : index
    %get3A_116 = vector.load %arg0[%get3A_114, %get3A_115] : memref<1024x16xi32, #tpu.memory_space<vmem>>, vector<1024x1xi32>
    %eq3A_117 = vector.broadcast %get3A_116 : vector<1024x1xi32> to vector<1024x1024xi32>
    %eq3A_118 = arith.cmpi eq, %eq3A_117, %iota3A : vector<1024x1024xi32>
    %convert_element_type3A_119 = arith.extui %eq3A_118 : vector<1024x1024xi1> to vector<1024x1024xi32>
    %convert_element_type3A_120 = arith.sitofp %convert_element_type3A_119 : vector<1024x1024xi32> to vector<1024x1024xf32>
    %add3A_121 = arith.addf %add3A_113, %convert_element_type3A_120 : vector<1024x1024xf32>
    %get3A_122 = arith.constant 0 : index
    %get3A_123 = arith.constant 15 : index
    %get3A_124 = vector.load %arg0[%get3A_122, %get3A_123] : memref<1024x16xi32, #tpu.memory_space<vmem>>, vector<1024x1xi32>
    %eq3A_125 = vector.broadcast %get3A_124 : vector<1024x1xi32> to vector<1024x1024xi32>
    %eq3A_126 = arith.cmpi eq, %eq3A_125, %iota3A : vector<1024x1024xi32>
    %convert_element_type3A_127 = arith.extui %eq3A_126 : vector<1024x1024xi1> to vector<1024x1024xi32>
    %convert_element_type3A_128 = arith.sitofp %convert_element_type3A_127 : vector<1024x1024xi32> to vector<1024x1024xf32>
    %add3A_129 = arith.addf %add3A_121, %convert_element_type3A_128 : vector<1024x1024xf32>
    %swap3A_130 = arith.constant 0 : index
    %swap3A_131 = arith.constant 0 : index
    %swap3A_132 = vector.load %arg3[%swap3A_130, %swap3A_131] : memref<1024x1024xf32, #tpu.memory_space<vmem>>, vector<1024x1024xf32>
    tpu.vector_store %arg3[%swap3A_130, %swap3A_131], %add3A_129 {strides = array<i32>} : memref<1024x1024xf32, #tpu.memory_space<vmem>>, vector<1024x1024xf32>,
    %eq3A_133 = vector.broadcast %get3A_1 : vector<1024x1xi32> to vector<1024x1024xi32>
    %eq3A_134 = arith.cmpi eq, %eq3A_133, %iota3A : vector<1024x1024xi32>
    %convert_element_type3A_135 = arith.extui %eq3A_134 : vector<1024x1024xi1> to vector<1024x1024xi32>
    %convert_element_type3A_136 = arith.sitofp %convert_element_type3A_135 : vector<1024x1024xi32> to vector<1024x1024xf32>
    %get3A_137 = arith.constant 0 : index
    %get3A_138 = arith.constant 0 : index
    %get3A_139 = vector.load %arg1[%get3A_137, %get3A_138] : memref<1024x768xf32, #tpu.memory_space<vmem>>, vector<1024x768xf32>
    %dot_general3A = arith.constant dense<0.000000e+00> : vector<1024x768xf32>
    %dot_general3A_140 = tpu.matmul %convert_element_type3A_136, %get3A_139, %dot_general3A {dimension_numbers = #tpu.dot_dimension_numbers<[1], [0], [0], [1], [0, 0, 1, 1], [], []>, transpose_lhs_hint = false} : vector<1024x1024xf32>, vector<1024x768xf32>, vector<1024x768xf32> -> vector<1024x768xf32>
    %get3A_141 = arith.constant 0 : index
    %get3A_142 = arith.constant 0 : index
    %get3A_143 = vector.load %arg2[%get3A_141, %get3A_142] : memref<1024x768xf32, #tpu.memory_space<vmem>>, vector<1024x768xf32>
    %dot_general3A_144 = arith.constant dense<0.000000e+00> : vector<1024x768xf32>
    %dot_general3A_145 = tpu.matmul %add3A_129, %get3A_143, %dot_general3A_144 {dimension_numbers = #tpu.dot_dimension_numbers<[1], [0], [0], [1], [0, 0, 1, 1], [], []>, transpose_lhs_hint = false} : vector<1024x1024xf32>, vector<1024x768xf32>, vector<1024x768xf32> -> vector<1024x768xf32>
    %slice3A = vector.extract_strided_slice %dot_general3A_140 {offsets = [0, 0], sizes = [256, 768], strides = [1, 1]} : vector<1024x768xf32> to vector<256x768xf32>
    %swap3A_146 = arith.constant 0 : index
    %swap3A_147 = arith.constant 0 : index
    %swap3A_148 = vector.load %arg4[%swap3A_146, %swap3A_147] : memref<2048x768xf32, #tpu.memory_space<vmem>>, vector<256x768xf32>
    tpu.vector_store %arg4[%swap3A_146, %swap3A_147], %slice3A {strides = array<i32>} : memref<2048x768xf32, #tpu.memory_space<vmem>>, vector<256x768xf32>,
    %slice3A_149 = vector.extract_strided_slice %dot_general3A_145 {offsets = [0, 0], sizes = [256, 768], strides = [1, 1]} : vector<1024x768xf32> to vector<256x768xf32>
    %swap3A_150 = arith.constant 256 : index
    %swap3A_151 = arith.constant 0 : index
    %swap3A_152 = vector.load %arg4[%swap3A_150, %swap3A_151] : memref<2048x768xf32, #tpu.memory_space<vmem>>, vector<256x768xf32>
    tpu.vector_store %arg4[%swap3A_150, %swap3A_151], %slice3A_149 {strides = array<i32>} : memref<2048x768xf32, #tpu.memory_space<vmem>>, vector<256x768xf32>,
    %slice3A_153 = vector.extract_strided_slice %dot_general3A_140 {offsets = [256, 0], sizes = [256, 768], strides = [1, 1]} : vector<1024x768xf32> to vector<256x768xf32>
    %swap3A_154 = arith.constant 512 : index
    %swap3A_155 = arith.constant 0 : index
    %swap3A_156 = vector.load %arg4[%swap3A_154, %swap3A_155] : memref<2048x768xf32, #tpu.memory_space<vmem>>, vector<256x768xf32>
    tpu.vector_store %arg4[%swap3A_154, %swap3A_155], %slice3A_153 {strides = array<i32>} : memref<2048x768xf32, #tpu.memory_space<vmem>>, vector<256x768xf32>,
    %slice3A_157 = vector.extract_strided_slice %dot_general3A_145 {offsets = [256, 0], sizes = [256, 768], strides = [1, 1]} : vector<1024x768xf32> to vector<256x768xf32>
    %swap3A_158 = arith.constant 768 : index
    %swap3A_159 = arith.constant 0 : index
    %swap3A_160 = vector.load %arg4[%swap3A_158, %swap3A_159] : memref<2048x768xf32, #tpu.memory_space<vmem>>, vector<256x768xf32>
    tpu.vector_store %arg4[%swap3A_158, %swap3A_159], %slice3A_157 {strides = array<i32>} : memref<2048x768xf32, #tpu.memory_space<vmem>>, vector<256x768xf32>,
    %slice3A_161 = vector.extract_strided_slice %dot_general3A_140 {offsets = [512, 0], sizes = [256, 768], strides = [1, 1]} : vector<1024x768xf32> to vector<256x768xf32>
    %swap3A_162 = arith.constant 1024 : index
    %swap3A_163 = arith.constant 0 : index
    %swap3A_164 = vector.load %arg4[%swap3A_162, %swap3A_163] : memref<2048x768xf32, #tpu.memory_space<vmem>>, vector<256x768xf32>
    tpu.vector_store %arg4[%swap3A_162, %swap3A_163], %slice3A_161 {strides = array<i32>} : memref<2048x768xf32, #tpu.memory_space<vmem>>, vector<256x768xf32>,
    %slice3A_165 = vector.extract_strided_slice %dot_general3A_145 {offsets = [512, 0], sizes = [256, 768], strides = [1, 1]} : vector<1024x768xf32> to vector<256x768xf32>
    %swap3A_166 = arith.constant 1280 : index
    %swap3A_167 = arith.constant 0 : index
    %swap3A_168 = vector.load %arg4[%swap3A_166, %swap3A_167] : memref<2048x768xf32, #tpu.memory_space<vmem>>, vector<256x768xf32>
    tpu.vector_store %arg4[%swap3A_166, %swap3A_167], %slice3A_165 {strides = array<i32>} : memref<2048x768xf32, #tpu.memory_space<vmem>>, vector<256x768xf32>,
    %slice3A_169 = vector.extract_strided_slice %dot_general3A_140 {offsets = [768, 0], sizes = [256, 768], strides = [1, 1]} : vector<1024x768xf32> to vector<256x768xf32>
    %swap3A_170 = arith.constant 1536 : index
    %swap3A_171 = arith.constant 0 : index
    %swap3A_172 = vector.load %arg4[%swap3A_170, %swap3A_171] : memref<2048x768xf32, #tpu.memory_space<vmem>>, vector<256x768xf32>
    tpu.vector_store %arg4[%swap3A_170, %swap3A_171], %slice3A_169 {strides = array<i32>} : memref<2048x768xf32, #tpu.memory_space<vmem>>, vector<256x768xf32>,
    %slice3A_173 = vector.extract_strided_slice %dot_general3A_145 {offsets = [768, 0], sizes = [256, 768], strides = [1, 1]} : vector<1024x768xf32> to vector<256x768xf32>
    %swap3A_174 = arith.constant 1792 : index
    %swap3A_175 = arith.constant 0 : index
    %swap3A_176 = vector.load %arg4[%swap3A_174, %swap3A_175] : memref<2048x768xf32, #tpu.memory_space<vmem>>, vector<256x768xf32>
    tpu.vector_store %arg4[%swap3A_174, %swap3A_175], %slice3A_173 {strides = array<i32>} : memref<2048x768xf32, #tpu.memory_space<vmem>>, vector<256x768xf32>,
    return
  }
}

</mosaic_0001>

<sc_bundles>
// kernel: kernel.4.cloned.1.call-start
scs
__scs_entry_jumppad:
0x0: {  	(pc) =	sbr.rel $0x88, $3  }
0x1: {  	(tag) =	ssettag $0x0;
	lr =	simm.s32 $0x1  }
0x2: {  	[smem:$0x3F9D] =	sst lr;
	_ =	strace $0xD0000000  }
0x3: {  	_ = 	snop  }
0x4: {  	_ = 	snop  }
0x5: {  	_ = 	snop  }
0x6: {  	_ = 	snop  }
0x7: {  	_ = 	snop  }
__scs_overlays_trampoline_lowered:
0x8: {  	[smem:$0x3FAC] =	sst s0  }
0x9: {  	[smem:$0x3FAD] =	sst s1  }
0xa: {  	[smem:$0x3FAE] =	sst s2  }
0xb: {  	[smem:$0x3FAF] =	sst s3  }
0xc: {  	[smem:$0x3FB0] =	sst s4  }
0xd: {  	[smem:$0x3FB1] =	sst s5  }
0xe: {  	[smem:$0x3FB2] =	sst s6  }
0xf: {  	[smem:$0x3FB3] =	sst s7  }
0x10: {  	[smem:$0x3FB4] =	sst s8  }
0x11: {  	[smem:$0x3FB5] =	sst s9;
	s0 =	simm.s32 @!p0 $0x0  }
0x12: {  	s1 =	sld [smem:$0x3F9B];
	s0 =	simm.s32 @p0 $0x1  }
0x13: {  	[smem:$0x3FB6] =	sst s0;
	s0 =	simm.s32 @!p1 $0x0  }
0x14: {  	s2 =	sld [smem:$0x3F9A];
	s0 =	simm.s32 @p1 $0x1  }
0x15: {  	[smem:$0x3FB7] =	sst s0;
	s0 =	simm.s32 @!p2 $0x0  }
0x16: {  	s3 =	sld [smem:$0x3FDB];
	s0 =	simm.s32 @p2 $0x1  }
0x17: {  	s4 =	simm.s32 $0x1BF5;
	[smem:$0x3FB9] =	sst s0  }
0x18: {  	s0 =	sld [smem:$0x3F9C];
	_ =	swait.ge [sflag:s4], $0x0  }
0x19: {  	s7 =	sld [smem:$0x3F9D]  }
0x1a: {  	s8 =	sadd.s32 $0xFFFFE003, lr  }
0x1b: {  	s9 =	sadd.s32 $0xFFFFFEF7, lr;
	s5 =	simm.s32 $0xFFFFFFFF;
	p2 =	slt.u32 s8, $0xFFFFF086  }
0x1c: {  	p1 =	slt.u32 s9, $0xF7A;
	s5 =	simm.s32 @!p2 $0x0  }
0x1d: {  	s5 =	simm.s32 @p1 $0x1;
	p0 =	seq.s32 s7, s2  }
0x1e: {  	s7 =	smul.u32 @!p0 $0xF7A, s2;
	p2 =	seq.s32 @!p0 s5, $0x0  }
0x1f: {  	s9 =	smul.u32 $0xF7A, s1;
	s8 =	simm.s32 @!p0 $0x1BF5;
	p2 =	por !p2, p0  }
0x20: {  	[sflag:s8] =	ssyncset.s32 @!p0 $0xFFFFF086;
	s6 =	sadd.s32 @!p0 s3, s7;
	s7 =	simm.s32 @!p0 $0x108  }
0x21: {  	s3 =	sadd.s32 s3, s9;
	s6 =	sadd.s32 @!p0 $0x88, s6;
	s7 =	simm.s32 @p2 $0x1082  }
0x22: {  	[simem:s7], [sflag:s8] =	dma.local @!p0 [hbm:s6], $0xF7A  }
0x23: {  	s9 =	sor.u32 $0xD0000000, s2;
	s6 =	simm.s32 $0x108;
	_ =	swait.ge @!p0 [sflag:s8], $0x0  }
0x24: {  	s3 =	sadd.s32 $0x88, s3;
	s6 =	simm.s32 @!p1 $0x1082;
	[sflag:s4] =	ssyncset.s32 $0xFFFFF086  }
0x25: {  	[simem:s6], [sflag:s4] =	dma.local [hbm:s3], $0xF7A  }
0x26: {  	[smem:$0x3F9D] =	sst s1;
	(tag) =	ssettag s2;
	_ =	strace s9  }
0x27: {  	s1 =	sld [smem:$0x3FAD]  }
0x28: {  	s2 =	sld [smem:$0x3FAE]  }
0x29: {  	s4 =	sld [smem:$0x3FB0]  }
0x2a: {  	p0 =	seq.s32 s5, $0x0;
	s5 =	sld [smem:$0x3FB1]  }
0x2b: {  	s6 =	sld [smem:$0x3FB2]  }
0x2c: {  	s7 =	sld [smem:$0x3FB3]  }
0x2d: {  	s3 =	simm.s32 $0x108;
	s8 =	sld [smem:$0x3FB4]  }
0x2e: {  	s3 =	simm.s32 @!p0 $0x1082;
	s9 =	sld [smem:$0x3FB5]  }
0x2f: {  	lr =	sadd.s32 s0, s3;
	s0 =	sld [smem:$0x3FAC]  }
0x30: {  	s3 =	sld [smem:$0x3FAF]  }
0x31: {  	[smem:$0x3FB8] =	sst s10  }
0x32: {  	s10 =	sld [smem:$0x3FB6];
	_ =	sdelay $0x3  }
0x33: {  	p0 =	seq.s32 s10, $0x1;
	s10 =	sld [smem:$0x3FB8];
	_ =	sdelay $0x3  }
0x34: {  	[smem:$0x3FB8] =	sst s10  }
0x35: {  	s10 =	sld [smem:$0x3FB7];
	_ =	sdelay $0x3  }
0x36: {  	p1 =	seq.s32 s10, $0x1;
	s10 =	sld [smem:$0x3FB8];
	_ =	sdelay $0x3  }
0x37: {  	[smem:$0x3FB8] =	sst s10  }
0x38: {  	s10 =	sld [smem:$0x3FB9]  }
0x39: {  	_ = 	snop;
	(pc) =	sbr.ind lr, $3  }
0x3a: {  	_ = 	snop  }
0x3b: {  	_ = 	snop  }
0x3c: {  	p2 =	seq.s32 s10, $0x1;
	s10 =	sld [smem:$0x3FB8]  }
0x3d: {  	_ =	shalt  }
0x3e: {  	_ =	shalt  }
0x3f: {  	_ =	shalt  }
0x40: {  	_ =	shalt  }
0x41: {  	_ =	shalt  }
0x42: {  	_ =	shalt  }
0x43: {  	_ =	shalt  }
0x44: {  	_ =	shalt  }
0x45: {  	_ =	shalt  }
0x46: {  	_ =	shalt  }
0x47: {  	_ =	shalt  }
0x48: {  	_ =	shalt  }
0x49: {  	_ =	shalt  }
0x4a: {  	_ =	shalt  }
0x4b: {  	_ =	shalt  }
0x4c: {  	_ =	shalt  }
0x4d: {  	_ =	shalt  }
0x4e: {  	_ =	shalt  }
0x4f: {  	_ =	shalt  }
0x50: {  	_ =	shalt  }
0x51: {  	_ =	shalt  }
0x52: {  	_ =	shalt  }
0x53: {  	_ =	shalt  }
0x54: {  	_ =	shalt  }
0x55: {  	_ =	shalt  }
0x56: {  	_ =	shalt  }
0x57: {  	_ =	shalt  }
0x58: {  	_ =	shalt  }
0x59: {  	_ =	shalt  }
0x5a: {  	_ =	shalt  }
0x5b: {  	_ =	shalt  }
0x5c: {  	_ =	shalt  }
0x5d: {  	_ =	shalt  }
0x5e: {  	_ =	shalt  }
0x5f: {  	_ =	shalt  }
0x60: {  	_ =	shalt  }
0x61: {  	_ =	shalt  }
0x62: {  	_ =	shalt  }
0x63: {  	_ =	shalt  }
0x64: {  	_ =	shalt  }
0x65: {  	_ =	shalt  }
0x66: {  	_ =	shalt  }
0x67: {  	_ =	shalt  }
0x68: {  	_ =	shalt  }
0x69: {  	_ =	shalt  }
0x6a: {  	_ =	shalt  }
0x6b: {  	_ =	shalt  }
0x6c: {  	_ =	shalt  }
0x6d: {  	_ =	shalt  }
0x6e: {  	_ =	shalt  }
0x6f: {  	_ =	shalt  }
0x70: {  	_ =	shalt  }
0x71: {  	_ =	shalt  }
0x72: {  	_ =	shalt  }
0x73: {  	_ =	shalt  }
0x74: {  	_ =	shalt  }
0x75: {  	_ =	shalt  }
0x76: {  	_ =	shalt  }
0x77: {  	_ =	shalt  }
0x78: {  	_ =	shalt  }
0x79: {  	_ =	shalt  }
0x7a: {  	_ =	shalt  }
0x7b: {  	_ =	shalt  }
0x7c: {  	_ =	shalt  }
0x7d: {  	_ =	shalt  }
0x7e: {  	_ =	shalt  }
0x7f: {  	_ =	shalt  }
0x80: {  	_ =	shalt  }
0x81: {  	_ =	shalt  }
0x82: {  	_ =	shalt  }
0x83: {  	_ =	shalt  }
0x84: {  	_ =	shalt  }
0x85: {  	_ =	shalt  }
0x86: {  	_ =	shalt  }
0x87: {  	_ =	shalt  }
.Lfunc_end0:
.L_simem_size_0:
called_computation_lowered:
.L_overlay_start_0:
0x88: {  	s2 =	sld [smem:$0x3FD9]  }
0x89: {  	s3 =	sld [smem:$0x3FFE];
	_ =	sdelay $0x1  }
0x8a: {  	s1 =	srdreg.scid  }
0x8b: {  	s0 =	sand.u32 $0x1, s1  }
0x8c: {  	s15 =	sshll.u32 s0, $0xA;
	s2 =	sadd.s32 s3, s2  }
0x8d: {  	s2 =	sadd.s32 s2, s15  }
0x8e: {  	[smem:$0x3FC4] =	sst s2  }
0x8f: {  	_ = 	snop  }
0x90: {  	s2 =	sld [smem:$0x3FD0];
	_ =	sdelay $0x1  }
0x91: {  	s16 =	sld [smem:$0x3FC9]  }
0x92: {  	s5 =	simm.s32 $0xA;
	s6 =	simm.s32 $0x10;
	s4 =	sld [smem:$0x3FC6]  }
0x93: {  	[smem:s6], [sflag:s5] =	dma.local [hbm:s2], $0x1  }
0x94: {  	_ =	swait.eq [sflag:s5], $0x1  }
0x95: {  	[sflag:s5] =	ssyncset.done $0x0  }
0x96: {  	[sflag:s5] =	ssyncadd.s32 $0xFFFFFFFF  }
0x97: {  	s17 =	sld [smem:$0x10];
	(tm) =	ssettm $0x1  }
0x98: {  	s18 =	sld [smem:$0x3FFB];
	_ =	sdelay $0x3  }
0x99: {  	_ =	strace s18  }
0x9a: {  	s5 =	sld [smem:$0x3FFC];
	_ =	sdelay $0x3  }
0x9b: {  	_ =	strace s5  }
0x9c: {  	s5 =	sld [smem:$0x3FFD];
	_ =	sdelay $0x3  }
0x9d: {  	_ =	strace s5  }
0x9e: {  	_ =	strace $0x8FFFFFFF  }
0x9f: {  	s19 =	sld [smem:$0x3FDB];
	_ =	sdelay $0x1  }
0xa0: {  	s20 =	simm.s32 $_scs_section_size  }
0xa1: {  	s7 =	simm.s32 $_size__tile_overlayer_lowered;
	s8 =	simm.s32 $_tile_overlayer_lowered  }
0xa2: {  	s23 =	simm.s32 $0x1BFF;
	s22 =	sshll.u32 s8, $0x1;
	s5 =	sadd.s32 s20, s19  }
0xa3: {  	s9 =	simm.s32 $0x0;
	s21 =	sshll.u32 s7, $0x1;
	s7 =	sadd.s32 s22, s5  }
0xa4: {  	[timem:s9], [sflag:s23] =	dma.local [hbm:s7], s21  }
0xa5: {  	_ =	swait.ge [sflag:s23], s21  }
0xa6: {  	s6 =	ssub.s32 $0x0, s21;
	[sflag:s23] =	ssyncset.done $0x0  }
0xa7: {  	[sflag:s23] =	ssyncadd.s32 s6;
	_ =	sdelay $0x1  }
0xa8: {  	s24 =	simm.s32 $0x1B8B  }
0xa9: {  	_ =	swait.ge [sflag:s24], $0x1  }
0xaa: {  	[sflag:s24] =	ssyncset.done $0x0  }
0xab: {  	s25 =	simm.s32 $0x1B8E;
	[sflag:s24] =	ssyncadd.s32 $0xFFFFFFFF  }
0xac: {  	s26 =	simm.s32 $execute0_lowered;
	[smem:$0x3FD2] =	sst s25  }
0xad: {  	s6 =	sshll.u32 s26, $0x1;
	_ =	strace $0x80000046;
	[dreg:$0x1] =	wrdreg $0xFFFFFFFF  }
0xae: {  	s28 =	simm.s32 $_size_execute0_lowered;
	s5 =	sadd.s32 s5, s6;
	[dreg:$0x0] =	wrdreg $0x0  }
0xaf: {  	s6 =	sshll.u32 s28, $0x1;
	[dreg:$0x2] =	wrdreg s5  }
0xb0: {  	[dreg:$0x3] =	wrdreg s6  }
0xb1: {  	[dreg:$0x4] =	wrdreg $0xC0  }
0xb2: {  	_ =	task [dreg:s9], $0x5FFFF  }
0xb3: {  	[dreg:$0x1] =	wrdreg $0xFFFFFFFF  }
0xb4: {  	[dreg:$0x0] =	wrdreg $0x60  }
0xb5: {  	[dreg:$0x2] =	wrdreg s16  }
0xb6: {  	[dreg:$0x3] =	wrdreg s4  }
0xb7: {  	[dreg:$0x4] =	wrdreg s17  }
0xb8: {  	[dreg:$0x5] =	wrdreg $0x9  }
0xb9: {  	_ =	task.clear_ibuf [dreg:s9], $0x6FFFF;
	_ =	strace $0x90000046  }
0xba: {  	s29 =	simm.s32 $0x9;
	_ =	strace $0x80000048  }
0xbb: {  	_ =	swait.ge [sflag:s29], $0x1  }
0xbc: {  	[sflag:s29] =	ssyncadd.s32 $0xFFFFFFFF  }
0xbd: {  	_ =	strace $0x90000048  }
0xbe: {  	_ =	sfence  }
0xbf: {  	s30 =	sld [smem:$0x0];
	_ =	sdelay $0x2  }
0xc0: {  	s31 =	sshll.u32 s1, $0xD;
	s1 =	sshrl.u32 s1, $0x2  }
0xc1: {  	s3 =	sand.u32 $0x4000, s31;
	s1 =	sadd.s32 s1, s30  }
0xc2: {  	s0 =	sor.u32 s3, s0;
	s1 =	sshll.u32 s1, $0x11  }
0xc3: {  	s0 =	sor.u32 s1, s0  }
0xc4: {  	s0 =	sadd.s32 $0x8F2B, s0  }
0xc5: {  	[sflag:s0] =	ssyncadd.remote.s32 $0x1  }
0xc6: {  	_ =	sfence.sel $0xFFFF  }
0xc7: {  	[dreg:$0x0] =	wrdreg $0xFFFFFFFF;
	(pc) =	sbr.abs _section_cstart, $3  }
0xc8: {  	[dreg:$0x1] =	wrdreg $0xFFFFFFFF  }
0xc9: {  	_ =	task.clear_ibuf [dreg:s9], $0x2FFFF;
	_ =	strace $0x9FFFFFFF  }
0xca: {  	(tm) =	ssettm $0x7FFFFFFF  }
0xcb: {  	_ =	shalt  }
tec
execute0_lowered:
.L_overlay_start_1:
0x0: {  	(tag) =	ssettag $0x1  }
0x1: {  	s0 =	rddreg [dreg:$0x0]  }
0x2: {  	s1 =	rddreg [dreg:$0x1]  }
0x3: {  	s2 =	rddreg [dreg:$0x2];
	s3 =	simm.s32 $0x0;
	s4 =	srdreg.scid  }
0x4: {  	s9 =	stileid.u32;
	s29 =	simm.s32 $0x9200;
	s28 =	simm.s32 $0xB  }
0x5: {  	s30 =	simm.s32 $0xC;
	s31 =	simm.s32 $0xD;
	[smem:$0x7FF] =	sst s3  }
0x6: {  	s4 =	sand.u32 $0x1, s4;
	s5 =	sshrl.u32 s9, $0x2;
	s9 =	sshll.u32 s9, $0xA  }
0x7: {  	_ =	strace $0x80000047;
	s6 =	ssub.s32 $0x2, s4;
	s7 =	sadd.s32 s4, s5  }
0x8: {  	s4 =	sshll.u32 s4, $0x9;
	s13 =	sshll.u32 s5, $0xC;
	s5 =	sshll.u32 s5, $0x7  }
0x9: {  	s8 =	sshrl.u32 s6, $0x1;
	s7 =	sshll.u32 s7, $0x9;
	s4 =	sor.u32 s4, s9  }
0xa: {  	s8 =	ssub.s32 s6, s8;
	s12 =	sadd.s32 s7, s9;
	s4 =	ssub.s32 s4, s13  }
0xb: {  	s13 =	simm.s32 $0x10200;
	s14 =	sadd.s32 $0x240, s12;
	s16 =	sadd.s32 $0x250, s12  }
0xc: {  	s10 =	sadd.s32 $0x230, s12;
	s11 =	sadd.s32 $0x220, s12;
	s4 =	sshll.u32 s4, $0x2  }
0xd: {  	s21 =	sadd.s32 $0x210, s12;
	s23 =	sadd.s32 $0x200, s12;
	s24 =	sadd.s32 $0x260, s12  }
0xe: {  	s6 =	sadd.s32 $0x270, s12;
	s12 =	simm.s32 $0xFA00;
	[dreg:$0x12] =	wrdreg s13  }
0xf: {  	s13 =	simm.s32 $0xF200;
	s15 =	sshrl.u32 s14, $0x3;
	s9 =	sshrl.u32 s16, $0x3  }
0x10: {  	s10 =	sshrl.u32 s10, $0x3;
	s11 =	sshrl.u32 s11, $0x3;
	s22 =	sshrl.u32 s21, $0x3  }
0x11: {  	s6 =	sshrl.u32 s6, $0x3;
	s4 =	sor.u32 s5, s4;
	s5 =	simm.s32 $0xCA00  }
0x12: {  	[dreg:$0x11] =	wrdreg s12;
	s14 =	simm.s32 $0x10A00;
	s7 =	smul.u32 $0x300, s15  }
0x13: {  	s16 =	simm.s32 $0x11A00;
	s9 =	smul.u32 $0x300, s9;
	[dreg:$0xc] =	wrdreg s5  }
0x14: {  	s21 =	simm.s32 $0x14A00;
	s10 =	smul.u32 $0x300, s10;
	[dreg:$0x13] =	wrdreg s14  }
0x15: {  	s12 =	simm.s32 $0x1;
	s18 =	smul.u32 $0x300, s11;
	[dreg:$0x15] =	wrdreg s16  }
0x16: {  	s6 =	smul.u32 $0x300, s6;
	s11 =	simm.s32 $0xEA00;
	[dreg:$0x1a] =	wrdreg s21  }
0x17: {  	s4 =	sshrl.u32 s4, $0x3;
	s15 =	simm.s32 $0x11200;
	[dreg:$0x10] =	wrdreg s11  }
0x18: {  	s5 =	sadd.s32 $0x100, s1;
	s0 =	sadd.s32 s0, s4;
	[dreg:$0x14] =	wrdreg s15  }
0x19: {  	s16 =	simm.s32 $0x3200;
	s7 =	sadd.s32 s7, s2;
	[smem:$0x7FC] =	sst s0  }
0x1a: {  	s14 =	simm.s32 $0x2;
	s17 =	sadd.s32 s9, s2;
	[dreg:$0x4] =	wrdreg s7  }
0x1b: {  	s21 =	simm.s32 $0x6;
	s19 =	sadd.s32 s10, s2;
	[dreg:$0x5] =	wrdreg s17  }
0x1c: {  	s11 =	simm.s32 $0xC200;
	s20 =	sadd.s32 s18, s2;
	[dreg:$0x6] =	wrdreg s19  }
0x1d: {  	s15 =	simm.s32 $0x12200;
	s18 =	simm.s32 $0x13200;
	[dreg:$0x7] =	wrdreg s20  }
0x1e: {  	s9 =	sshrl.u32 s23, $0x3;
	s23 =	simm.s32 $0x16200;
	[dreg:$0x17] =	wrdreg s18  }
0x1f: {  	s10 =	sshrl.u32 s24, $0x3;
	s24 =	simm.s32 $0x16A00;
	[dreg:$0x1c] =	wrdreg s23  }
0x20: {  	s4 =	simm.s32 $0x0;
	s17 =	simm.s32 $0x12A00;
	[dreg:$0x1d] =	wrdreg s24  }
0x21: {  	s0 =	simm.s32 $0xE;
	s19 =	simm.s32 $0x13A00;
	[dreg:$0x16] =	wrdreg s17  }
0x22: {  	s7 =	smul.u32 $0x300, s22;
	s20 =	simm.s32 $0x14200;
	[dreg:$0x18] =	wrdreg s19  }
0x23: {  	s9 =	smul.u32 $0x300, s9;
	s22 =	simm.s32 $0x15A00;
	[dreg:$0x19] =	wrdreg s20  }
0x24: {  	s10 =	smul.u32 $0x300, s10;
	[dreg:$0x1b] =	wrdreg s22;
	s7 =	sadd.s32 s7, s2  }
0x25: {  	s18 =	simm.s32 $0x15200;
	s25 =	sadd.s32 s9, s2;
	[dreg:$0x8] =	wrdreg s7  }
0x26: {  	s23 =	simm.s32 $0x7;
	s26 =	sadd.s32 s10, s2;
	[dreg:$0x9] =	wrdreg s25  }
0x27: {  	s24 =	simm.s32 $0x8;
	s2 =	sadd.s32 s6, s2;
	[dreg:$0xa] =	wrdreg s26  }
0x28: {  	s22 =	simm.s32 $0x6200;
	s6 =	simm.s32 $0xD200;
	[dreg:$0xb] =	wrdreg s2  }
0x29: {  	s17 =	simm.s32 $0x3;
	s10 =	smax.u32 s8, $0x1;
	[dreg:$0xd] =	wrdreg s6  }
0x2a: {  	s19 =	simm.s32 $0x4;
	s9 =	simm.s32 $0xE200;
	[smem:$0x7FD] =	sst s10  }
0x2b: {  	s20 =	simm.s32 $0x5;
	s7 =	simm.s32 $0xDA00;
	[dreg:$0xf] =	wrdreg s9  }
0x2c: {  	v2 =	vlaneseq.u32;
	s8 =	simm.s32 $0x10;
	s25 =	simm.s32 $0x17200;
	[dreg:$0xe] =	wrdreg s7  }
0x2d: {  	vm0 =	vmmov $0xffff;
	v1 =	vshrl.u32 v2, $0x3;
	s6 =	sadd.s32 $0x200, s1;
	s26 =	simm.s32 $0x17A00;
	[dreg:$0x1e] =	wrdreg s25  }
0x2e: {  	v0 =	vand.u32 $0x7, v2;
	v2 =	vor.u32 $0x8, v2;
	v1 =	vmul.u32 $0x8, v1;
	s9 =	simm.s32 $0x200;
	s2 =	simm.s32 $0xF;
	[dreg:$0x1f] =	wrdreg s26  }
.LBB2_1:
0x2f: {  	s7 =	sld [smem:$0x7FC];
	_ =	sdelay $0x1  }
0x30: {  	s10 =	simm.s32 $0x80  }
0x31: {  	[tilespmem:s3], [sflag:$0x11] =	stream.strided.gather [hbm4b:s7+s10], $0x200, s9, s10, $0x38;
	[tilespmem:$0x18200] =	vst v63  }
0x32: {  	s10 =	simm.s32 $0x11  }
0x33: {  	_ =	swait.ge [sflag:s10], $0x200  }
0x34: {  	[sflag:s10] =	ssyncset.done $0x0  }
0x35: {  	[sflag:s10] =	ssyncadd.s32 $0xFFFFFE00  }
0x36: {  	v3 =	vld [tilespmem:$0x0];
	_ =	sdelay $0x4  }
0x37: {  	v4 =	vshrl.u32 v3, $0x3  }
0x38: {  	v4 =	vmul.u32 $0x30, v4  }
0x39: {  	v3 =	vand.u32 $0x7, v3  }
0x3a: {  	v3 =	vor.u32 v3, v4  }
0x3b: {  	v4 =	vperm.xlane v3, v0;
	_ =	sdelay $0x1  }
0x3c: {  	v4 =	vadd.s32 v1, v4;
	_ =	sdelay $0x3  }
0x3d: {  	v3 =	vperm.xlane v3, v2  }
0x3e: {  	[tilespmem:s9], [sflag:$0x1] =	stream.indirect_vreg.gather [hbm4b:s1+s3], $0x80, v4, vm0, $0xb8;
	[tilespmem:$0x18200] =	vst v63  }
0x3f: {  	s25 =	simm.s32 $0xA00;
	v3 =	vadd.s32 v1, v3  }
0x40: {  	[tilespmem:s25], [sflag:$0x1] =	stream.indirect_vreg.gather [hbm4b:s5+s3], $0x80, v4, vm0, $0xb8;
	[tilespmem:$0x18200] =	vst v63  }
0x41: {  	s26 =	simm.s32 $0x1200  }
0x42: {  	[tilespmem:s26], [sflag:$0x1] =	stream.indirect_vreg.gather [hbm4b:s6+s3], $0x80, v4, vm0, $0xb8;
	[tilespmem:$0x18200] =	vst v63  }
0x43: {  	s10 =	simm.s32 $0x1A00  }
0x44: {  	[tilespmem:s10], [sflag:$0x1] =	stream.indirect_vreg.gather [hbm4b:s1+s3], $0x80, v3, vm0, $0xb8;
	[tilespmem:$0x18200] =	vst v63  }
0x45: {  	s25 =	simm.s32 $0x2200  }
0x46: {  	[tilespmem:s25], [sflag:$0x1] =	stream.indirect_vreg.gather [hbm4b:s5+s3], $0x80, v3, vm0, $0xb8;
	[tilespmem:$0x18200] =	vst v63  }
0x47: {  	s26 =	simm.s32 $0x2A00  }
0x48: {  	[tilespmem:s26], [sflag:$0x1] =	stream.indirect_vreg.gather [hbm4b:s6+s3], $0x80, v3, vm0, $0xb8;
	[tilespmem:$0x18200] =	vst v63  }
0x49: {  	v3 =	vld [tilespmem:$0x10];
	_ =	sdelay $0x4  }
0x4a: {  	v61 =	vshrl.u32 v3, $0x3  }
0x4b: {  	v4 =	vmul.u32 $0x30, v61  }
0x4c: {  	v3 =	vand.u32 $0x7, v3  }
0x4d: {  	v3 =	vor.u32 v3, v4  }
0x4e: {  	v4 =	vperm.xlane v3, v0;
	_ =	sdelay $0x1  }
0x4f: {  	v4 =	vadd.s32 v1, v4;
	_ =	sdelay $0x3  }
0x50: {  	v3 =	vperm.xlane v3, v2  }
0x51: {  	[tilespmem:s16], [sflag:$0x2] =	stream.indirect_vreg.gather [hbm4b:s1+s3], $0x80, v4, vm0, $0xb8;
	[tilespmem:$0x18200] =	vst v63  }
0x52: {  	s10 =	simm.s32 $0x3A00;
	v3 =	vadd.s32 v1, v3  }
0x53: {  	[tilespmem:s10], [sflag:$0x2] =	stream.indirect_vreg.gather [hbm4b:s5+s3], $0x80, v4, vm0, $0xb8;
	[tilespmem:$0x18200] =	vst v63  }
0x54: {  	s25 =	simm.s32 $0x4200  }
0x55: {  	[tilespmem:s25], [sflag:$0x2] =	stream.indirect_vreg.gather [hbm4b:s6+s3], $0x80, v4, vm0, $0xb8;
	[tilespmem:$0x18200] =	vst v63  }
0x56: {  	s26 =	simm.s32 $0x4A00  }
0x57: {  	[tilespmem:s26], [sflag:$0x2] =	stream.indirect_vreg.gather [hbm4b:s1+s3], $0x80, v3, vm0, $0xb8;
	[tilespmem:$0x18200] =	vst v63  }
0x58: {  	s10 =	simm.s32 $0x5200  }
0x59: {  	[tilespmem:s10], [sflag:$0x2] =	stream.indirect_vreg.gather [hbm4b:s5+s3], $0x80, v3, vm0, $0xb8;
	[tilespmem:$0x18200] =	vst v63  }
0x5a: {  	s25 =	simm.s32 $0x5A00  }
0x5b: {  	[tilespmem:s25], [sflag:$0x2] =	stream.indirect_vreg.gather [hbm4b:s6+s3], $0x80, v3, vm0, $0xb8;
	[tilespmem:$0x18200] =	vst v63  }
0x5c: {  	v3 =	vld [tilespmem:$0x20];
	_ =	sdelay $0x4  }
0x5d: {  	v62 =	vshrl.u32 v3, $0x3  }
0x5e: {  	v4 =	vmul.u32 $0x30, v62  }
0x5f: {  	v3 =	vand.u32 $0x7, v3  }
0x60: {  	v3 =	vor.u32 v3, v4  }
0x61: {  	v4 =	vperm.xlane v3, v0;
	_ =	sdelay $0x1  }
0x62: {  	v4 =	vadd.s32 v1, v4;
	_ =	sdelay $0x3  }
0x63: {  	v3 =	vperm.xlane v3, v2  }
0x64: {  	[tilespmem:s22], [sflag:$0x3] =	stream.indirect_vreg.gather [hbm4b:s1+s3], $0x80, v4, vm0, $0xb8;
	[tilespmem:$0x18200] =	vst v63  }
0x65: {  	s26 =	simm.s32 $0x6A00;
	v3 =	vadd.s32 v1, v3  }
0x66: {  	[tilespmem:s26], [sflag:$0x3] =	stream.indirect_vreg.gather [hbm4b:s5+s3], $0x80, v4, vm0, $0xb8;
	[tilespmem:$0x18200] =	vst v63  }
0x67: {  	s10 =	simm.s32 $0x7200  }
0x68: {  	[tilespmem:s10], [sflag:$0x3] =	stream.indirect_vreg.gather [hbm4b:s6+s3], $0x80, v4, vm0, $0xb8;
	[tilespmem:$0x18200] =	vst v63  }
0x69: {  	s25 =	simm.s32 $0x7A00  }
0x6a: {  	[tilespmem:s25], [sflag:$0x3] =	stream.indirect_vreg.gather [hbm4b:s1+s3], $0x80, v3, vm0, $0xb8;
	[tilespmem:$0x18200] =	vst v63  }
0x6b: {  	s26 =	simm.s32 $0x8200  }
0x6c: {  	[tilespmem:s26], [sflag:$0x3] =	stream.indirect_vreg.gather [hbm4b:s5+s3], $0x80, v3, vm0, $0xb8;
	[tilespmem:$0x18200] =	vst v63  }
0x6d: {  	s10 =	simm.s32 $0x8A00  }
0x6e: {  	[tilespmem:s10], [sflag:$0x3] =	stream.indirect_vreg.gather [hbm4b:s6+s3], $0x80, v3, vm0, $0xb8;
	[tilespmem:$0x18200] =	vst v63  }
0x6f: {  	v3 =	vld [tilespmem:$0x30];
	_ =	sdelay $0x4  }
0x70: {  	v63 =	vshrl.u32 v3, $0x3  }
0x71: {  	v4 =	vmul.u32 $0x30, v63  }
0x72: {  	v3 =	vand.u32 $0x7, v3  }
0x73: {  	v3 =	vor.u32 v3, v4  }
0x74: {  	v4 =	vperm.xlane v3, v0;
	_ =	sdelay $0x1  }
0x75: {  	v4 =	vadd.s32 v1, v4;
	_ =	sdelay $0x3  }
0x76: {  	v3 =	vperm.xlane v3, v2  }
0x77: {  	[tilespmem:s29], [sflag:$0x4] =	stream.indirect_vreg.gather [hbm4b:s1+s3], $0x80, v4, vm0, $0xb8;
	[tilespmem:$0x18200] =	vst v63  }
0x78: {  	s25 =	simm.s32 $0x9A00;
	v3 =	vadd.s32 v1, v3  }
0x79: {  	[tilespmem:s25], [sflag:$0x4] =	stream.indirect_vreg.gather [hbm4b:s5+s3], $0x80, v4, vm0, $0xb8;
	[tilespmem:$0x18200] =	vst v63  }
0x7a: {  	s26 =	simm.s32 $0xA200  }
0x7b: {  	[tilespmem:s26], [sflag:$0x4] =	stream.indirect_vreg.gather [hbm4b:s6+s3], $0x80, v4, vm0, $0xb8;
	[tilespmem:$0x18200] =	vst v63  }
0x7c: {  	s10 =	simm.s32 $0xAA00  }
0x7d: {  	[tilespmem:s10], [sflag:$0x4] =	stream.indirect_vreg.gather [hbm4b:s1+s3], $0x80, v3, vm0, $0xb8;
	[tilespmem:$0x18200] =	vst v63  }
0x7e: {  	s25 =	simm.s32 $0xB200  }
0x7f: {  	[tilespmem:s25], [sflag:$0x4] =	stream.indirect_vreg.gather [hbm4b:s5+s3], $0x80, v3, vm0, $0xb8;
	[tilespmem:$0x18200] =	vst v63  }
0x80: {  	s7 =	simm.s32 $0x60;
	s26 =	simm.s32 $0xBA00;
	s10 =	simm.s32 $0x0  }
0x81: {  	[tilespmem:s26], [sflag:$0x4] =	stream.indirect_vreg.gather [hbm4b:s6+s3], $0x80, v3, vm0, $0xb8;
	[tilespmem:$0x18200] =	vst v63  }
.LBB2_2:
0x82: {  	p0 =	seq.s32 s10, $0x0  }
0x83: {  	s25 =	simm.s32 @!p0 $0xD  }
0x84: {  	_ =	swait.ge @!p0 [sflag:s25], $0x3000  }
0x85: {  	[sflag:s25] =	ssyncset.done @!p0 $0x0  }
0x86: {  	[sflag:s25] =	ssyncadd.s32 @!p0 $0xFFFFD000  }
0x87: {  	v3 =	vld [tilespmem:s7+$0xFFFFFFE0];
	_ =	sdelay $0x4  }
0x88: {  	v4 =	vshrl.u32 v3, $0x3  }
0x89: {  	v4 =	vmul.u32 $0x30, v4  }
0x8a: {  	v3 =	vand.u32 $0x7, v3  }
0x8b: {  	v3 =	vor.u32 v3, v4  }
0x8c: {  	v4 =	vperm.xlane v3, v0;
	_ =	sdelay $0x1  }
0x8d: {  	v4 =	vadd.s32 v1, v4;
	_ =	sdelay $0x3  }
0x8e: {  	v3 =	vperm.xlane v3, v2  }
0x8f: {  	[tilespmem:s11], [sflag:$0x5] =	stream.indirect_vreg.gather [hbm4b:s1+s3], $0x80, v4, vm0, $0xb8;
	[tilespmem:$0x18200] =	vst v63  }
0x90: {  	s25 =	rddreg [dreg:$0xc];
	v3 =	vadd.s32 v1, v3  }
0x91: {  	[tilespmem:s25], [sflag:$0x5] =	stream.indirect_vreg.gather [hbm4b:s5+s3], $0x80, v4, vm0, $0xb8;
	[tilespmem:$0x18200] =	vst v63  }
0x92: {  	s26 =	rddreg [dreg:$0xd]  }
0x93: {  	[tilespmem:s26], [sflag:$0x5] =	stream.indirect_vreg.gather [hbm4b:s6+s3], $0x80, v4, vm0, $0xb8;
	[tilespmem:$0x18200] =	vst v63  }
0x94: {  	s25 =	rddreg [dreg:$0xe]  }
0x95: {  	[tilespmem:s25], [sflag:$0x5] =	stream.indirect_vreg.gather [hbm4b:s1+s3], $0x80, v3, vm0, $0xb8;
	[tilespmem:$0x18200] =	vst v63  }
0x96: {  	s26 =	rddreg [dreg:$0xf]  }
0x97: {  	[tilespmem:s26], [sflag:$0x5] =	stream.indirect_vreg.gather [hbm4b:s5+s3], $0x80, v3, vm0, $0xb8;
	[tilespmem:$0x18200] =	vst v63  }
0x98: {  	s25 =	rddreg [dreg:$0x10]  }
0x99: {  	[tilespmem:s25], [sflag:$0x5] =	stream.indirect_vreg.gather [hbm4b:s6+s3], $0x80, v3, vm0, $0xb8;
	[tilespmem:$0x18200] =	vst v63  }
0x9a: {  	_ =	swait.ge [sflag:s12], $0x3000  }
0x9b: {  	s26 =	rddreg [dreg:$0x9];
	[sflag:s12] =	ssyncset.done $0x0  }
0x9c: {  	[sflag:s12] =	ssyncadd.s32 $0xFFFFD000;
	s25 =	sadd.s32 s10, s26  }
0x9d: {  	[hbm4b:s25+s3] =	stream.linear.scatter [tilespmem:s9], [sflag:$0x9], $0x3000, $0x38;
	[tilespmem:$0x18200] =	vst v63  }
0x9e: {  	s25 =	simm.s32 @!p0 $0xE  }
0x9f: {  	_ =	swait.ge @!p0 [sflag:s25], $0x3000  }
0xa0: {  	[sflag:s25] =	ssyncset.done @!p0 $0x0  }
0xa1: {  	[sflag:s25] =	ssyncadd.s32 @!p0 $0xFFFFD000  }
0xa2: {  	v3 =	vld [tilespmem:s7+$0xFFFFFFF0];
	_ =	sdelay $0x4  }
0xa3: {  	v61 =	vshrl.u32 v3, $0x3  }
0xa4: {  	v4 =	vmul.u32 $0x30, v61  }
0xa5: {  	v3 =	vand.u32 $0x7, v3  }
0xa6: {  	v3 =	vor.u32 v3, v4  }
0xa7: {  	v4 =	vperm.xlane v3, v0;
	_ =	sdelay $0x1  }
0xa8: {  	v4 =	vadd.s32 v1, v4;
	_ =	sdelay $0x3  }
0xa9: {  	v3 =	vperm.xlane v3, v2  }
0xaa: {  	[tilespmem:s13], [sflag:$0x6] =	stream.indirect_vreg.gather [hbm4b:s1+s3], $0x80, v4, vm0, $0xb8;
	[tilespmem:$0x18200] =	vst v63  }
0xab: {  	s25 =	rddreg [dreg:$0x11];
	v3 =	vadd.s32 v1, v3  }
0xac: {  	[tilespmem:s25], [sflag:$0x6] =	stream.indirect_vreg.gather [hbm4b:s5+s3], $0x80, v4, vm0, $0xb8;
	[tilespmem:$0x18200] =	vst v63  }
0xad: {  	s26 =	rddreg [dreg:$0x12]  }
0xae: {  	[tilespmem:s26], [sflag:$0x6] =	stream.indirect_vreg.gather [hbm4b:s6+s3], $0x80, v4, vm0, $0xb8;
	[tilespmem:$0x18200] =	vst v63  }
0xaf: {  	s25 =	rddreg [dreg:$0x13]  }
0xb0: {  	[tilespmem:s25], [sflag:$0x6] =	stream.indirect_vreg.gather [hbm4b:s1+s3], $0x80, v3, vm0, $0xb8;
	[tilespmem:$0x18200] =	vst v63  }
0xb1: {  	s26 =	rddreg [dreg:$0x14]  }
0xb2: {  	[tilespmem:s26], [sflag:$0x6] =	stream.indirect_vreg.gather [hbm4b:s5+s3], $0x80, v3, vm0, $0xb8;
	[tilespmem:$0x18200] =	vst v63  }
0xb3: {  	s25 =	rddreg [dreg:$0x15]  }
0xb4: {  	[tilespmem:s25], [sflag:$0x6] =	stream.indirect_vreg.gather [hbm4b:s6+s3], $0x80, v3, vm0, $0xb8;
	[tilespmem:$0x18200] =	vst v63  }
0xb5: {  	_ =	swait.ge [sflag:s14], $0x3000  }
0xb6: {  	s26 =	rddreg [dreg:$0x8];
	[sflag:s14] =	ssyncset.done $0x0  }
0xb7: {  	[sflag:s14] =	ssyncadd.s32 $0xFFFFD000;
	s25 =	sadd.s32 s10, s26  }
0xb8: {  	[hbm4b:s25+s3] =	stream.linear.scatter [tilespmem:s16], [sflag:$0xA], $0x3000, $0x38;
	[tilespmem:$0x18200] =	vst v63  }
0xb9: {  	s25 =	simm.s32 @!p0 $0xF  }
0xba: {  	_ =	swait.ge @!p0 [sflag:s25], $0x3000  }
0xbb: {  	[sflag:s25] =	ssyncset.done @!p0 $0x0  }
0xbc: {  	[sflag:s25] =	ssyncadd.s32 @!p0 $0xFFFFD000  }
0xbd: {  	v3 =	vld [tilespmem:s7+$0x0];
	_ =	sdelay $0x4  }
0xbe: {  	v62 =	vshrl.u32 v3, $0x3  }
0xbf: {  	v4 =	vmul.u32 $0x30, v62  }
0xc0: {  	v3 =	vand.u32 $0x7, v3  }
0xc1: {  	v3 =	vor.u32 v3, v4  }
0xc2: {  	v4 =	vperm.xlane v3, v0;
	_ =	sdelay $0x1  }
0xc3: {  	v4 =	vadd.s32 v1, v4;
	_ =	sdelay $0x3  }
0xc4: {  	v3 =	vperm.xlane v3, v2  }
0xc5: {  	[tilespmem:s15], [sflag:$0x7] =	stream.indirect_vreg.gather [hbm4b:s1+s3], $0x80, v4, vm0, $0xb8;
	[tilespmem:$0x18200] =	vst v63  }
0xc6: {  	s25 =	rddreg [dreg:$0x16];
	v3 =	vadd.s32 v1, v3  }
0xc7: {  	[tilespmem:s25], [sflag:$0x7] =	stream.indirect_vreg.gather [hbm4b:s5+s3], $0x80, v4, vm0, $0xb8;
	[tilespmem:$0x18200] =	vst v63  }
0xc8: {  	s26 =	rddreg [dreg:$0x17]  }
0xc9: {  	[tilespmem:s26], [sflag:$0x7] =	stream.indirect_vreg.gather [hbm4b:s6+s3], $0x80, v4, vm0, $0xb8;
	[tilespmem:$0x18200] =	vst v63  }
0xca: {  	s25 =	rddreg [dreg:$0x18]  }
0xcb: {  	[tilespmem:s25], [sflag:$0x7] =	stream.indirect_vreg.gather [hbm4b:s1+s3], $0x80, v3, vm0, $0xb8;
	[tilespmem:$0x18200] =	vst v63  }
0xcc: {  	s26 =	rddreg [dreg:$0x19]  }
0xcd: {  	[tilespmem:s26], [sflag:$0x7] =	stream.indirect_vreg.gather [hbm4b:s5+s3], $0x80, v3, vm0, $0xb8;
	[tilespmem:$0x18200] =	vst v63  }
0xce: {  	s25 =	rddreg [dreg:$0x1a]  }
0xcf: {  	[tilespmem:s25], [sflag:$0x7] =	stream.indirect_vreg.gather [hbm4b:s6+s3], $0x80, v3, vm0, $0xb8;
	[tilespmem:$0x18200] =	vst v63  }
0xd0: {  	_ =	swait.ge [sflag:s17], $0x3000  }
0xd1: {  	s26 =	rddreg [dreg:$0x7];
	[sflag:s17] =	ssyncset.done $0x0  }
0xd2: {  	[sflag:s17] =	ssyncadd.s32 $0xFFFFD000;
	s25 =	sadd.s32 s10, s26  }
0xd3: {  	[hbm4b:s25+s3] =	stream.linear.scatter [tilespmem:s22], [sflag:$0xB], $0x3000, $0x38;
	[tilespmem:$0x18200] =	vst v63  }
0xd4: {  	s25 =	simm.s32 @!p0 $0x10  }
0xd5: {  	_ =	swait.ge @!p0 [sflag:s25], $0x3000  }
0xd6: {  	[sflag:s25] =	ssyncset.done @!p0 $0x0  }
0xd7: {  	[sflag:s25] =	ssyncadd.s32 @!p0 $0xFFFFD000  }
0xd8: {  	v3 =	vld [tilespmem:s7+$0x10];
	_ =	sdelay $0x4  }
0xd9: {  	v63 =	vshrl.u32 v3, $0x3  }
0xda: {  	v4 =	vmul.u32 $0x30, v63  }
0xdb: {  	v3 =	vand.u32 $0x7, v3  }
0xdc: {  	v3 =	vor.u32 v3, v4  }
0xdd: {  	v4 =	vperm.xlane v3, v0;
	_ =	sdelay $0x1  }
0xde: {  	v4 =	vadd.s32 v1, v4;
	_ =	sdelay $0x3  }
0xdf: {  	v3 =	vperm.xlane v3, v2  }
0xe0: {  	[tilespmem:s18], [sflag:$0x8] =	stream.indirect_vreg.gather [hbm4b:s1+s3], $0x80, v4, vm0, $0xb8;
	[tilespmem:$0x18200] =	vst v63  }
0xe1: {  	s25 =	rddreg [dreg:$0x1b];
	v3 =	vadd.s32 v1, v3  }
0xe2: {  	[tilespmem:s25], [sflag:$0x8] =	stream.indirect_vreg.gather [hbm4b:s5+s3], $0x80, v4, vm0, $0xb8;
	[tilespmem:$0x18200] =	vst v63  }
0xe3: {  	s26 =	rddreg [dreg:$0x1c]  }
0xe4: {  	[tilespmem:s26], [sflag:$0x8] =	stream.indirect_vreg.gather [hbm4b:s6+s3], $0x80, v4, vm0, $0xb8;
	[tilespmem:$0x18200] =	vst v63  }
0xe5: {  	s25 =	rddreg [dreg:$0x1d]  }
0xe6: {  	[tilespmem:s25], [sflag:$0x8] =	stream.indirect_vreg.gather [hbm4b:s1+s3], $0x80, v3, vm0, $0xb8;
	[tilespmem:$0x18200] =	vst v63  }
0xe7: {  	s26 =	rddreg [dreg:$0x1e]  }
0xe8: {  	[tilespmem:s26], [sflag:$0x8] =	stream.indirect_vreg.gather [hbm4b:s5+s3], $0x80, v3, vm0, $0xb8;
	[tilespmem:$0x18200] =	vst v63  }
0xe9: {  	s25 =	rddreg [dreg:$0x1f]  }
0xea: {  	[tilespmem:s25], [sflag:$0x8] =	stream.indirect_vreg.gather [hbm4b:s6+s3], $0x80, v3, vm0, $0xb8;
	[tilespmem:$0x18200] =	vst v63  }
0xeb: {  	_ =	swait.ge [sflag:s19], $0x3000  }
0xec: {  	s26 =	rddreg [dreg:$0x6];
	[sflag:s19] =	ssyncset.done $0x0  }
0xed: {  	p0 =	seq.s32 s10, $0x9000;
	[sflag:s19] =	ssyncadd.s32 $0xFFFFD000;
	s25 =	sadd.s32 s10, s26  }
0xee: {  	[hbm4b:s25+s3] =	stream.linear.scatter [tilespmem:s29], [sflag:$0xC], $0x3000, $0x38;
	[tilespmem:$0x18200] =	vst v63  }
0xef: {  	s25 =	simm.s32 @!p0 $0x9  }
0xf0: {  	_ =	swait.ge @!p0 [sflag:s25], $0x3000  }
0xf1: {  	[sflag:s25] =	ssyncset.done @!p0 $0x0  }
0xf2: {  	[sflag:s25] =	ssyncadd.s32 @!p0 $0xFFFFD000  }
0xf3: {  	v3 =	vld @!p0 [tilespmem:s7+$0x20];
	_ =	sdelay $0x4  }
0xf4: {  	v4 =	vshrl.u32 @!p0 v3, $0x3  }
0xf5: {  	v4 =	vmul.u32 @!p0 $0x30, v4  }
0xf6: {  	v5 =	vlaneseq.u32 @!p0;
	v3 =	vand.u32 @!p0 $0x7, v3  }
0xf7: {  	v6 =	vshrl.u32 @!p0 v5, $0x3;
	v3 =	vor.u32 @!p0 v3, v4;
	v4 =	vand.u32 @!p0 $0x7, v5  }
0xf8: {  	v6 =	vmul.u32 @!p0 $0x8, v6;
	v7 =	vperm.xlane @!p0 v3, v4;
	_ =	sdelay $0x1  }
0xf9: {  	v7 =	vadd.s32 @!p0 v6, v7;
	_ =	sdelay $0x2  }
0xfa: {  	v5 =	vor.u32 @!p0 $0x8, v5  }
0xfb: {  	vm1 =	vmmov @!p0 $0xffff;
	s26 =	simm.s32 @!p0 $0x200;
	s25 =	simm.s32 @!p0 $0x0;
	v3 =	vperm.xlane @!p0 v3, v5  }
0xfc: {  	[tilespmem:s26], [sflag:$0x1] =	stream.indirect_vreg.gather @!p0 [hbm4b:s1+s25], $0x80, v7, vm1, $0xb8;
	[tilespmem:$0x18200] =	vst v63  }
0xfd: {  	v3 =	vadd.s32 @!p0 v6, v3;
	s26 =	simm.s32 @!p0 $0xA00  }
0xfe: {  	[tilespmem:s26], [sflag:$0x1] =	stream.indirect_vreg.gather @!p0 [hbm4b:s5+s25], $0x80, v7, vm1, $0xb8;
	[tilespmem:$0x18200] =	vst v63  }
0xff: {  	s26 =	simm.s32 @!p0 $0x1200  }
0x100: {  	[tilespmem:s26], [sflag:$0x1] =	stream.indirect_vreg.gather @!p0 [hbm4b:s6+s25], $0x80, v7, vm1, $0xb8;
	[tilespmem:$0x18200] =	vst v63  }
0x101: {  	s26 =	simm.s32 @!p0 $0x1A00  }
0x102: {  	[tilespmem:s26], [sflag:$0x1] =	stream.indirect_vreg.gather @!p0 [hbm4b:s1+s25], $0x80, v3, vm1, $0xb8;
	[tilespmem:$0x18200] =	vst v63  }
0x103: {  	s26 =	simm.s32 @!p0 $0x2200  }
0x104: {  	[tilespmem:s26], [sflag:$0x1] =	stream.indirect_vreg.gather @!p0 [hbm4b:s5+s25], $0x80, v3, vm1, $0xb8;
	[tilespmem:$0x18200] =	vst v63  }
0x105: {  	s26 =	simm.s32 @!p0 $0x2A00  }
0x106: {  	[tilespmem:s26], [sflag:$0x1] =	stream.indirect_vreg.gather @!p0 [hbm4b:s6+s25], $0x80, v3, vm1, $0xb8;
	[tilespmem:$0x18200] =	vst v63  }
0x107: {  	_ =	swait.ge [sflag:s20], $0x3000  }
0x108: {  	s26 =	rddreg [dreg:$0x4];
	[sflag:s20] =	ssyncset.done $0x0  }
0x109: {  	[sflag:s20] =	ssyncadd.s32 $0xFFFFD000;
	s26 =	sadd.s32 s10, s26  }
0x10a: {  	[hbm4b:s26+s3] =	stream.linear.scatter [tilespmem:s11], [sflag:$0xD], $0x3000, $0x38;
	[tilespmem:$0x18200] =	vst v63  }
0x10b: {  	s26 =	simm.s32 @!p0 $0xA  }
0x10c: {  	_ =	swait.ge @!p0 [sflag:s26], $0x3000  }
0x10d: {  	[sflag:s26] =	ssyncset.done @!p0 $0x0  }
0x10e: {  	[sflag:s26] =	ssyncadd.s32 @!p0 $0xFFFFD000  }
0x10f: {  	v3 =	vld @!p0 [tilespmem:s7+$0x30];
	_ =	sdelay $0x4  }
0x110: {  	v7 =	vshrl.u32 @!p0 v3, $0x3  }
0x111: {  	v7 =	vmul.u32 @!p0 $0x30, v7  }
0x112: {  	v3 =	vand.u32 @!p0 $0x7, v3  }
0x113: {  	v3 =	vor.u32 @!p0 v3, v7  }
0x114: {  	v7 =	vperm.xlane @!p0 v3, v4;
	_ =	sdelay $0x1  }
0x115: {  	v7 =	vadd.s32 @!p0 v6, v7;
	_ =	sdelay $0x3  }
0x116: {  	s26 =	simm.s32 @!p0 $0x3200;
	v3 =	vperm.xlane @!p0 v3, v5  }
0x117: {  	[tilespmem:s26], [sflag:$0x2] =	stream.indirect_vreg.gather @!p0 [hbm4b:s1+s25], $0x80, v7, vm1, $0xb8;
	[tilespmem:$0x18200] =	vst v63  }
0x118: {  	v3 =	vadd.s32 @!p0 v6, v3;
	s26 =	simm.s32 @!p0 $0x3A00  }
0x119: {  	[tilespmem:s26], [sflag:$0x2] =	stream.indirect_vreg.gather @!p0 [hbm4b:s5+s25], $0x80, v7, vm1, $0xb8;
	[tilespmem:$0x18200] =	vst v63  }
0x11a: {  	s26 =	simm.s32 @!p0 $0x4200  }
0x11b: {  	[tilespmem:s26], [sflag:$0x2] =	stream.indirect_vreg.gather @!p0 [hbm4b:s6+s25], $0x80, v7, vm1, $0xb8;
	[tilespmem:$0x18200] =	vst v63  }
0x11c: {  	s26 =	simm.s32 @!p0 $0x4A00  }
0x11d: {  	[tilespmem:s26], [sflag:$0x2] =	stream.indirect_vreg.gather @!p0 [hbm4b:s1+s25], $0x80, v3, vm1, $0xb8;
	[tilespmem:$0x18200] =	vst v63  }
0x11e: {  	s26 =	simm.s32 @!p0 $0x5200  }
0x11f: {  	[tilespmem:s26], [sflag:$0x2] =	stream.indirect_vreg.gather @!p0 [hbm4b:s5+s25], $0x80, v3, vm1, $0xb8;
	[tilespmem:$0x18200] =	vst v63  }
0x120: {  	s26 =	simm.s32 @!p0 $0x5A00  }
0x121: {  	[tilespmem:s26], [sflag:$0x2] =	stream.indirect_vreg.gather @!p0 [hbm4b:s6+s25], $0x80, v3, vm1, $0xb8;
	[tilespmem:$0x18200] =	vst v63  }
0x122: {  	_ =	swait.ge [sflag:s21], $0x3000  }
0x123: {  	s26 =	rddreg [dreg:$0x5];
	[sflag:s21] =	ssyncset.done $0x0  }
0x124: {  	[sflag:s21] =	ssyncadd.s32 $0xFFFFD000;
	s26 =	sadd.s32 s10, s26  }
0x125: {  	[hbm4b:s26+s3] =	stream.linear.scatter [tilespmem:s13], [sflag:$0xE], $0x3000, $0x38;
	[tilespmem:$0x18200] =	vst v63  }
0x126: {  	s26 =	simm.s32 @!p0 $0xB  }
0x127: {  	_ =	swait.ge @!p0 [sflag:s26], $0x3000  }
0x128: {  	[sflag:s26] =	ssyncset.done @!p0 $0x0  }
0x129: {  	[sflag:s26] =	ssyncadd.s32 @!p0 $0xFFFFD000  }
0x12a: {  	v3 =	vld @!p0 [tilespmem:s7+$0x40];
	_ =	sdelay $0x4  }
0x12b: {  	v7 =	vshrl.u32 @!p0 v3, $0x3  }
0x12c: {  	v7 =	vmul.u32 @!p0 $0x30, v7  }
0x12d: {  	v3 =	vand.u32 @!p0 $0x7, v3  }
0x12e: {  	v3 =	vor.u32 @!p0 v3, v7  }
0x12f: {  	v7 =	vperm.xlane @!p0 v3, v4;
	_ =	sdelay $0x1  }
0x130: {  	v7 =	vadd.s32 @!p0 v6, v7;
	_ =	sdelay $0x3  }
0x131: {  	s26 =	simm.s32 @!p0 $0x6200;
	v3 =	vperm.xlane @!p0 v3, v5  }
0x132: {  	[tilespmem:s26], [sflag:$0x3] =	stream.indirect_vreg.gather @!p0 [hbm4b:s1+s25], $0x80, v7, vm1, $0xb8;
	[tilespmem:$0x18200] =	vst v63  }
0x133: {  	v3 =	vadd.s32 @!p0 v6, v3;
	s26 =	simm.s32 @!p0 $0x6A00  }
0x134: {  	[tilespmem:s26], [sflag:$0x3] =	stream.indirect_vreg.gather @!p0 [hbm4b:s5+s25], $0x80, v7, vm1, $0xb8;
	[tilespmem:$0x18200] =	vst v63  }
0x135: {  	s26 =	simm.s32 @!p0 $0x7200  }
0x136: {  	[tilespmem:s26], [sflag:$0x3] =	stream.indirect_vreg.gather @!p0 [hbm4b:s6+s25], $0x80, v7, vm1, $0xb8;
	[tilespmem:$0x18200] =	vst v63  }
0x137: {  	s26 =	simm.s32 @!p0 $0x7A00  }
0x138: {  	[tilespmem:s26], [sflag:$0x3] =	stream.indirect_vreg.gather @!p0 [hbm4b:s1+s25], $0x80, v3, vm1, $0xb8;
	[tilespmem:$0x18200] =	vst v63  }
0x139: {  	s26 =	simm.s32 @!p0 $0x8200  }
0x13a: {  	[tilespmem:s26], [sflag:$0x3] =	stream.indirect_vreg.gather @!p0 [hbm4b:s5+s25], $0x80, v3, vm1, $0xb8;
	[tilespmem:$0x18200] =	vst v63  }
0x13b: {  	s26 =	simm.s32 @!p0 $0x8A00  }
0x13c: {  	[tilespmem:s26], [sflag:$0x3] =	stream.indirect_vreg.gather @!p0 [hbm4b:s6+s25], $0x80, v3, vm1, $0xb8;
	[tilespmem:$0x18200] =	vst v63  }
0x13d: {  	_ =	swait.ge [sflag:s23], $0x3000  }
0x13e: {  	s26 =	rddreg [dreg:$0xa];
	[sflag:s23] =	ssyncset.done $0x0  }
0x13f: {  	[sflag:s23] =	ssyncadd.s32 $0xFFFFD000;
	s26 =	sadd.s32 s10, s26  }
0x140: {  	[hbm4b:s26+s3] =	stream.linear.scatter [tilespmem:s15], [sflag:$0xF], $0x3000, $0x38;
	[tilespmem:$0x18200] =	vst v63  }
0x141: {  	s26 =	simm.s32 @!p0 $0xC  }
0x142: {  	_ =	swait.ge @!p0 [sflag:s26], $0x3000  }
0x143: {  	[sflag:s26] =	ssyncset.done @!p0 $0x0  }
0x144: {  	[sflag:s26] =	ssyncadd.s32 @!p0 $0xFFFFD000  }
0x145: {  	v3 =	vld @!p0 [tilespmem:s7+$0x50];
	_ =	sdelay $0x4  }
0x146: {  	v7 =	vshrl.u32 @!p0 v3, $0x3  }
0x147: {  	v7 =	vmul.u32 @!p0 $0x30, v7  }
0x148: {  	v3 =	vand.u32 @!p0 $0x7, v3  }
0x149: {  	v3 =	vor.u32 @!p0 v3, v7  }
0x14a: {  	v4 =	vperm.xlane @!p0 v3, v4;
	_ =	sdelay $0x1  }
0x14b: {  	v4 =	vadd.s32 @!p0 v6, v4;
	_ =	sdelay $0x3  }
0x14c: {  	s26 =	simm.s32 @!p0 $0x9200;
	v3 =	vperm.xlane @!p0 v3, v5  }
0x14d: {  	[tilespmem:s26], [sflag:$0x4] =	stream.indirect_vreg.gather @!p0 [hbm4b:s1+s25], $0x80, v4, vm1, $0xb8;
	[tilespmem:$0x18200] =	vst v63  }
0x14e: {  	v3 =	vadd.s32 @!p0 v6, v3;
	s26 =	simm.s32 @!p0 $0x9A00  }
0x14f: {  	[tilespmem:s26], [sflag:$0x4] =	stream.indirect_vreg.gather @!p0 [hbm4b:s5+s25], $0x80, v4, vm1, $0xb8;
	[tilespmem:$0x18200] =	vst v63  }
0x150: {  	s26 =	simm.s32 @!p0 $0xA200  }
0x151: {  	[tilespmem:s26], [sflag:$0x4] =	stream.indirect_vreg.gather @!p0 [hbm4b:s6+s25], $0x80, v4, vm1, $0xb8;
	[tilespmem:$0x18200] =	vst v63  }
0x152: {  	s26 =	simm.s32 @!p0 $0xAA00  }
0x153: {  	[tilespmem:s26], [sflag:$0x4] =	stream.indirect_vreg.gather @!p0 [hbm4b:s1+s25], $0x80, v3, vm1, $0xb8;
	[tilespmem:$0x18200] =	vst v63  }
0x154: {  	s26 =	simm.s32 @!p0 $0xB200  }
0x155: {  	[tilespmem:s26], [sflag:$0x4] =	stream.indirect_vreg.gather @!p0 [hbm4b:s5+s25], $0x80, v3, vm1, $0xb8;
	[tilespmem:$0x18200] =	vst v63  }
0x156: {  	s26 =	simm.s32 @!p0 $0xBA00  }
0x157: {  	[tilespmem:s26], [sflag:$0x4] =	stream.indirect_vreg.gather @!p0 [hbm4b:s6+s25], $0x80, v3, vm1, $0xb8;
	[tilespmem:$0x18200] =	vst v63  }
0x158: {  	_ =	swait.ge [sflag:s24], $0x3000  }
0x159: {  	s26 =	rddreg [dreg:$0xb]  }
0x15a: {  	s25 =	sadd.s32 s10, s26;
	s10 =	sadd.s32 $0x3000, s10  }
0x15b: {  	p0 =	sne.s32 s10, $0xC000  }
.Ltmp0:
0x15c: {  	_ = 	snop;
	(pc) =	sbr.rel @p0 .LBB2_2-.Ltmp0, $4  }
0x15d: {  	_ = 	snop  }
0x15e: {  	[sflag:s24] =	ssyncset.done $0x0  }
0x15f: {  	s7 =	sadd.s32 $0x80, s7;
	[sflag:s24] =	ssyncadd.s32 $0xFFFFD000  }
0x160: {  	[hbm4b:s25+s3] =	stream.linear.scatter [tilespmem:s18], [sflag:$0x10], $0x3000, $0x38;
	[tilespmem:$0x18200] =	vst v63  }
0x161: {  	s7 =	simm.s32 $0x9  }
0x162: {  	_ =	swait.ge [sflag:s7], $0x3000  }
0x163: {  	[sflag:s7] =	ssyncset.done $0x0  }
0x164: {  	s25 =	simm.s32 $0xA;
	[sflag:s7] =	ssyncadd.s32 $0xFFFFD000  }
0x165: {  	_ =	swait.ge [sflag:s25], $0x3000  }
0x166: {  	[sflag:s25] =	ssyncset.done $0x0  }
0x167: {  	[sflag:s25] =	ssyncadd.s32 $0xFFFFD000  }
0x168: {  	_ =	swait.ge [sflag:s28], $0x3000  }
0x169: {  	[sflag:s28] =	ssyncset.done $0x0  }
0x16a: {  	[sflag:s28] =	ssyncadd.s32 $0xFFFFD000  }
0x16b: {  	_ =	swait.ge [sflag:s30], $0x3000  }
0x16c: {  	[sflag:s30] =	ssyncset.done $0x0  }
0x16d: {  	[sflag:s30] =	ssyncadd.s32 $0xFFFFD000  }
0x16e: {  	_ =	swait.ge [sflag:s31], $0x3000  }
0x16f: {  	[sflag:s31] =	ssyncset.done $0x0  }
0x170: {  	[sflag:s31] =	ssyncadd.s32 $0xFFFFD000  }
0x171: {  	_ =	swait.ge [sflag:s0], $0x3000  }
0x172: {  	[sflag:s0] =	ssyncset.done $0x0  }
0x173: {  	[sflag:s0] =	ssyncadd.s32 $0xFFFFD000  }
0x174: {  	_ =	swait.ge [sflag:s2], $0x3000  }
0x175: {  	[sflag:s2] =	ssyncset.done $0x0  }
0x176: {  	[sflag:s2] =	ssyncadd.s32 $0xFFFFD000  }
0x177: {  	_ =	swait.ge [sflag:s8], $0x3000  }
0x178: {  	s26 =	sld [smem:$0x7FD];
	_ =	sdelay $0x1  }
0x179: {  	s4 =	sadd.s32 $0x1, s4  }
0x17a: {  	p0 =	sne.s32 s4, s26  }
.Ltmp1:
0x17b: {  	_ = 	snop;
	(pc) =	sbr.rel @p0 .LBB2_1-.Ltmp1, $3  }
0x17c: {  	_ =	sdelay $0x1  }
0x17d: {  	[sflag:s8] =	ssyncset.done $0x0  }
0x17e: {  	[sflag:s8] =	ssyncadd.s32 $0xFFFFD000  }
0x17f: {  	_ =	sfence.sel $0x180000  }
0x180: {  	[bflag:$0x0] =	sbarrier.arrive $0xFFFF  }
0x181: {  	_ =	strace $0x90000047  }
0x182: {  	s0 =	stileid.u32;
	[bflag:$0x2] =	sbarrier.arrive $0xFFFF  }
0x183: {  	p0 =	sne.s32 s0, $0x0;
	s0 =	rddreg [dreg:$0x3]  }
0x184: {  	s0 =	sadd.s32 @!p0 $0x100000, s0  }
0x185: {  	[sflag:s0] =	ssyncadd.tile.s32 @!p0 $0x1;
	_ =	shalt  }
.Lfunc_end2:
_tile_overlayer_lowered:
.L_overlay_start_2:
0x186: {  	(tag) =	ssettag $0x2  }
0x187: {  	s0 =	rddreg [dreg:$0x0];
	s2 =	stileid.u32  }
0x188: {  	s1 =	rddreg [dreg:$0x1];
	p0 =	sne.s32 s2, $0x0  }
0x189: {  	s3 =	rddreg [dreg:$0x2];
	[bflag:$0x3] =	sbarrier.arrive $0xFFFF;
	s2 =	simm.s32 @!p0 $0x1C11  }
0x18a: {  	[timem:s3], [sflag:s2] =	dma.local @!p0 [hbm:s0], s1  }
0x18b: {  	s0 =	simm.s32 @!p0 $0x11  }
0x18c: {  	_ =	swait.ge @!p0 [sflag:s0], s1  }
0x18d: {  	s1 =	ssub.s32 @!p0 $0x0, s1;
	[sflag:s0] =	ssyncset.done @!p0 $0x0  }
0x18e: {  	[sflag:s0] =	ssyncadd.s32 @!p0 s1  }
0x18f: {  	[bflag:$0x3] =	sbarrier.arrive $0xFFFF  }
0x190: {  	_ =	shalt  }

</sc_bundles>
